<compile_context>
chip_gen: v7x
topology: tpu7x:2x2x1
jax: 0.10.2.dev20260603
libtpu: 0.0.44.dev20260713+nightly
codegen_flags: <defaults>
</compile_context>

<pallas_src>
import jax
import jax.numpy as jnp
from jax import lax
from jax.experimental import pallas as pl
from jax.experimental.pallas import tpu as pltpu
from jax.experimental.pallas import tpu_sc as plsc

N = 10000
NP = 10112
D = 128
E = 320000
K = 128
NTILES = 32
PH = 40
CH = 2 * PH
NCH = NTILES * CH
DCH = NCH // NTILES
E_PAD = NCH * K
RPT = NP // 16

_mesh = plsc.VectorSubcoreMesh(core_axis_name="c", subcore_axis_name="s")


def _sc_deg_body(dst_hbm, ones_hbm, zeros_hbm, out_hbm, idx_v, ones_v, tmp, acc):
    c = lax.axis_index("c")
    s = lax.axis_index("s")
    r0 = s * RPT

    @pl.when(c == 0)
    def _():
        pltpu.sync_copy(ones_hbm.at[pl.ds(r0, RPT)], tmp.at[pl.ds(0, RPT)])

    @pl.when(c != 0)
    def _():
        pltpu.sync_copy(zeros_hbm.at[pl.ds(r0, RPT)], tmp.at[pl.ds(0, RPT)])

    pltpu.sync_copy(tmp.at[pl.ds(0, RPT)], acc.at[pl.ds(r0, RPT)])

    pltpu.sync_copy(ones_hbm.at[pl.ds(0, K)], ones_v)
    wid = c * 16 + s
    pltpu.sync_copy(dst_hbm.at[pl.ds(wid * DCH, DCH)], idx_v)
    plsc.subcore_barrier()

    def body(i, carry):
        pltpu.sync_copy(ones_v, acc.at[idx_v.at[i]], add=True)
        return carry

    lax.fori_loop(0, DCH, body, 0)
    plsc.subcore_barrier()

    @pl.when(s == 0)
    def _():
        pltpu.sync_copy(acc, tmp)
        pltpu.sync_copy(tmp, out_hbm.at[c])


_sc_deg = pl.kernel(
    _sc_deg_body,
    out_type=jax.ShapeDtypeStruct((2, NP), jnp.float32),
    mesh=_mesh,
    scratch_types=[
        pltpu.VMEM((DCH, K), jnp.int32),
        pltpu.VMEM((K,), jnp.float32),
        pltpu.VMEM((NP,), jnp.float32),
        pltpu.VMEM_SHARED((NP,), jnp.float32),
    ],
)


def _sc_agg_body(hs_hbm, src_hbm, dst_hbm, zeros_hbm, out_hbm,
                 sidx, didx, rows0, rows1, acc, g0, g1):
    c = lax.axis_index("c")
    s = lax.axis_index("s")
    r0 = s * RPT

    @pl.when(c == 0)
    def _():
        pltpu.sync_copy(hs_hbm.at[pl.ds(r0, RPT)], acc.at[pl.ds(r0, RPT)])

    @pl.when(c != 0)
    def _():
        pltpu.sync_copy(zeros_hbm, acc.at[pl.ds(r0, RPT)])

    plsc.subcore_barrier()

    def run_phase(base):
        pltpu.sync_copy(src_hbm.at[pl.ds(base, PH)], sidx)
        pltpu.sync_copy(dst_hbm.at[pl.ds(base, PH)], didx)
        pltpu.async_copy(hs_hbm.at[sidx.at[0]], rows0, g0)
        pltpu.async_copy(hs_hbm.at[sidx.at[1]], rows1, g1)

        def body(j, carry):
            i0 = 2 * j
            i1 = 2 * j + 1
            pltpu.make_async_copy(hs_hbm.at[sidx.at[i0]], rows0, g0).wait()
            pltpu.sync_copy(rows0, acc.at[didx.at[i0]], add=True)

            @pl.when(i0 + 2 < PH)
            def _():
                pltpu.async_copy(hs_hbm.at[sidx.at[i0 + 2]], rows0, g0)

            pltpu.make_async_copy(hs_hbm.at[sidx.at[i1]], rows1, g1).wait()
            pltpu.sync_copy(rows1, acc.at[didx.at[i1]], add=True)

            @pl.when(i1 + 2 < PH)
            def _():
                pltpu.async_copy(hs_hbm.at[sidx.at[i1 + 2]], rows1, g1)

            return carry

        lax.fori_loop(0, PH // 2, body, 0)

    wid = c * 16 + s
    for p in range(CH // PH):
        run_phase(wid * CH + p * PH)

    plsc.subcore_barrier()
    pltpu.sync_copy(acc.at[pl.ds(r0, RPT)], out_hbm.at[c, pl.ds(r0, RPT)])


_sc_agg = pl.kernel(
    _sc_agg_body,
    out_type=jax.ShapeDtypeStruct((2, NP, D), jnp.float32),
    mesh=_mesh,
    scratch_types=[
        pltpu.VMEM((PH, K), jnp.int32),
        pltpu.VMEM((PH, K), jnp.int32),
        pltpu.VMEM((K, D), jnp.float32),
        pltpu.VMEM((K, D), jnp.float32),
        pltpu.VMEM_SHARED((NP, D), jnp.float32),
        pltpu.SemaphoreType.DMA,
        pltpu.SemaphoreType.DMA,
    ],
)


def _leaky(x):
    return jnp.where(x >= 0, x, 0.01 * x)


def _tc_first_body(x_ref, w_ref, deg_ref, hs_ref, dinv_ref):
    deg2 = deg_ref[...]
    deg = (deg2[0] + deg2[1])[:, None]
    row = lax.broadcasted_iota(jnp.int32, (NP, 1), 0)
    dinv = jnp.where((deg > 0) & (row < N), lax.rsqrt(deg), 0.0)
    h = jnp.dot(x_ref[...], w_ref[...], preferred_element_type=jnp.float32)
    hs_ref[pl.ds(0, N), :] = h * dinv[:N]
    hs_ref[pl.ds(N, NP - N), :] = jnp.zeros((NP - N, D), jnp.float32)
    dinv_ref[...] = dinv


def _tc_mid_body(pp_ref, dinv_ref, b_ref, w_ref, hs_ref):
    pp = pp_ref[...]
    dinv = dinv_ref[...]
    x = _leaky(dinv * (pp[0] + pp[1]) + b_ref[...])
    h = jnp.dot(x, w_ref[...], preferred_element_type=jnp.float32)
    hs_ref[...] = h * dinv


def _tc_last_body(pp_ref, dinv_ref, b_ref, out_ref):
    pp = pp_ref[...]
    dinv = dinv_ref[...]
    out_ref[...] = _leaky(dinv[:N] * (pp[0, :N] + pp[1, :N]) + b_ref[...])


def kernel(nodes_feature, edge_index, W1, b1, W2, b2):
    f32 = jnp.float32
    src = edge_index[0]
    dst = edge_index[1]
    npad = E_PAD - E
    pad_src = (jnp.arange(npad, dtype=jnp.int32) * 131) % N
    pad_dst = N + (jnp.arange(npad, dtype=jnp.int32) % (NP - N))
    src_p = jnp.concatenate([src, pad_src]).reshape(NCH, K)
    dst_p = jnp.concatenate([dst, pad_dst]).reshape(NCH, K)
    zeros_nodes = jnp.zeros((RPT, D), f32)
    ones_deg = jnp.ones((NP,), f32)
    zeros_deg = jnp.zeros((NP,), f32)
    b1r = b1.reshape(1, D)
    b2r = b2.reshape(1, D)

    deg2 = _sc_deg(dst_p, ones_deg, zeros_deg)

    hs1, dinv = pl.pallas_call(
        _tc_first_body,
        out_shape=[
            jax.ShapeDtypeStruct((NP, D), f32),
            jax.ShapeDtypeStruct((NP, 1), f32),
        ],
    )(nodes_feature, W1, deg2)

    pp1 = _sc_agg(hs1, src_p, dst_p, zeros_nodes)

    hs2 = pl.pallas_call(
        _tc_mid_body,
        out_shape=jax.ShapeDtypeStruct((NP, D), f32),
    )(pp1, dinv, b1r, W2)

    pp2 = _sc_agg(hs2, src_p, dst_p, zeros_nodes)

    return pl.pallas_call(
        _tc_last_body,
        out_shape=jax.ShapeDtypeStruct((N, D), f32),
    )(pp2, dinv, b2r)

# --- scband reference (transcript-rebuilt; emitter-appended) ---
"""Pipeline reference for scband-gcnnet-17171279249555 (READ-ONLY COPY).

The authoritative reference and input builder live on the scoring server;
editing this copy changes nothing except your own understanding.
"""

import jax, jax.numpy as jnp
import numpy as np

N = 10000
E = 320000
D_IN = 128
D_OUT = 128


def setup_inputs(seed: int = 0) -> dict:
    key = jax.random.key(seed)
    k1, k2, k3, k4, k5, k6 = jax.random.split(key, 6)
    nodes_feature = jax.random.normal(k1, (N, D_IN), dtype=jnp.float32)
    edge_index = jax.random.randint(k2, (2, E), 0, N, dtype=jnp.int32)
    s1 = (2.0 / (D_IN + D_OUT)) ** 0.5
    s2 = (2.0 / (D_OUT + D_OUT)) ** 0.5
    W1 = jax.random.normal(k3, (D_IN, D_OUT), dtype=jnp.float32) * s1
    b1 = jnp.zeros((D_OUT,), dtype=jnp.float32)
    W2 = jax.random.normal(k4, (D_OUT, D_OUT), dtype=jnp.float32) * s2
    b2 = jnp.zeros((D_OUT,), dtype=jnp.float32)
    return {"nodes_feature": nodes_feature, "edge_index": edge_index,
            "W1": W1, "b1": b1, "W2": W2, "b2": b2}


def _gcn_conv(x, src, dst, W, b, num_nodes):
    # x' = D^{-1/2} (A + I) D^{-1/2} X W + b  (PyG GCNConv defaults:
    # add_self_loops=True, normalize=True). Self loops already appended
    # to src/dst by caller.
    h = x @ W
    deg = jnp.zeros((num_nodes,), dtype=h.dtype).at[dst].add(1.0)
    dinv = jnp.where(deg > 0, jax.lax.rsqrt(deg), 0.0)
    norm = dinv[src] * dinv[dst]
    msg = h[src] * norm[:, None]
    out = jnp.zeros((num_nodes, h.shape[1]), dtype=h.dtype).at[dst].add(msg)
    return out + b


def reference(nodes_feature, edge_index, W1, b1, W2, b2):
    num_nodes = nodes_feature.shape[0]
    loop = jnp.arange(num_nodes, dtype=edge_index.dtype)
    src = jnp.concatenate([edge_index[0], loop])
    dst = jnp.concatenate([edge_index[1], loop])
    x = _gcn_conv(nodes_feature, src, dst, W1, b1, num_nodes)
    x = jax.nn.leaky_relu(x, negative_slope=0.01)
    x = _gcn_conv(x, src, dst, W2, b2, num_nodes)
    x = jax.nn.leaky_relu(x, negative_slope=0.01)
    return x

if __name__ == "__main__":
    import jax
    _d = setup_inputs()
    print(jax.jit(kernel)(*tuple(_d.values())))

</pallas_src>

<mosaic_0001>
#map = affine_map<(d0, d1) -> (0, 0)>
#map1 = affine_map<(d0, d1) -> (0)>
module attributes {stable_mosaic.version = 14 : i64} {
  func.func @_sc_deg_body(%arg0: i32, %arg1: i32, %arg2: memref<2560x128xi32, #tpu.memory_space<hbm>>, %arg3: memref<10112xf32, #tpu.memory_space<hbm>>, %arg4: memref<10112xf32, #tpu.memory_space<hbm>>, %arg5: memref<2x10112xf32, #tpu.memory_space<hbm>>, %arg6: memref<80x128xi32, #tpu.memory_space<vmem>>, %arg7: memref<128xf32, #tpu.memory_space<vmem>>, %arg8: memref<10112xf32, #tpu.memory_space<vmem>>, %arg9: memref<10112xf32, #tpu.memory_space<vmem_shared>>) attributes {dimension_semantics = [#tpu.dimension_semantics<core_parallel>, #tpu.dimension_semantics<subcore_parallel>], iteration_bounds = array<i64: 2, 16>, scalar_prefetch = 0 : i64, scratch_operands = 4 : i64, tpu.core_type = #tpu.core_type<sc_vector_subcore>, window_params = [{transform_indices = #map}, {transform_indices = #map1}, {transform_indices = #map1}, {transform_indices = #map}]} {
    %mul3A = arith.constant 632 : i32
    %mul3A_0 = arith.muli %arg1, %mul3A : i32
    %eq3A = arith.constant 0 : i32
    %eq3A_1 = arith.cmpi eq, %arg0, %eq3A : i32
    %convert_element_type3A = arith.extui %eq3A_1 : i1 to i32
    %cond3A = arith.constant 0 : i32
    %cond3A_2 = arith.cmpi ne, %convert_element_type3A, %cond3A : i32
    scf.if %cond3A_2 {
      "tpu.region"() ({
        %run_scoped3A = tpu.sem_alloc : memref<!tpu.dma_semaphore, #tpu.memory_space<semaphore_mem>>
        %dma_start3A = arith.constant 0 : i32
        %dma_start3A_22 = tpu.memref_slice %arg8[%dma_start3A] : memref<10112xf32, #tpu.memory_space<vmem>> -> memref<632xf32, #tpu.memory_space<vmem>>
        %dma_start3A_23 = tpu.memref_slice %arg3[%mul3A_0] : memref<10112xf32, #tpu.memory_space<hbm>> -> memref<632xf32, #tpu.memory_space<hbm>>
        %dma_start3A_24 = arith.constant 0 : i32
        %dma_start3A_25 = tpu.memref_slice %arg8[%dma_start3A_24] : memref<10112xf32, #tpu.memory_space<vmem>> -> memref<632xf32, #tpu.memory_space<vmem>>
        %dma_start3A_26 = tpu.memref_slice %arg3[%mul3A_0] : memref<10112xf32, #tpu.memory_space<hbm>> -> memref<632xf32, #tpu.memory_space<hbm>>
        tpu.enqueue_dma source(%dma_start3A_26 : memref<632xf32, #tpu.memory_space<hbm>>) target(%dma_start3A_25 : memref<632xf32, #tpu.memory_space<vmem>>) target_semaphore(%run_scoped3A : memref<!tpu.dma_semaphore, #tpu.memory_space<semaphore_mem>>)
        %dma_wait3A = arith.constant 0 : i32
        %dma_wait3A_27 = tpu.memref_slice %arg8[%dma_wait3A] : memref<10112xf32, #tpu.memory_space<vmem>> -> memref<632xf32, #tpu.memory_space<vmem>>
        %dma_wait3A_28 = tpu.memref_slice %arg3[%mul3A_0] : memref<10112xf32, #tpu.memory_space<hbm>> -> memref<632xf32, #tpu.memory_space<hbm>>
        %dma_wait3A_29 = arith.constant 0 : i32
        %dma_wait3A_30 = tpu.memref_slice %arg8[%dma_wait3A_29] : memref<10112xf32, #tpu.memory_space<vmem>> -> memref<632xf32, #tpu.memory_space<vmem>>
        %dma_wait3A_31 = tpu.memref_slice %arg3[%mul3A_0] : memref<10112xf32, #tpu.memory_space<hbm>> -> memref<632xf32, #tpu.memory_space<hbm>>
        tpu.wait_dma2 semaphore(%run_scoped3A : memref<!tpu.dma_semaphore, #tpu.memory_space<semaphore_mem>>) src(%dma_wait3A_31 : memref<632xf32, #tpu.memory_space<hbm>>) dst(%dma_wait3A_30 : memref<632xf32, #tpu.memory_space<vmem>>)
        tpu.yield
      }) : () -> ()
    } else {
    }
    %ne3A = arith.constant 0 : i32
    %ne3A_3 = arith.cmpi ne, %arg0, %ne3A : i32
    %convert_element_type3A_4 = arith.extui %ne3A_3 : i1 to i32
    %cond3A_5 = arith.constant 0 : i32
    %cond3A_6 = arith.cmpi ne, %convert_element_type3A_4, %cond3A_5 : i32
    scf.if %cond3A_6 {
      "tpu.region"() ({
        %run_scoped3A = tpu.sem_alloc : memref<!tpu.dma_semaphore, #tpu.memory_space<semaphore_mem>>
        %dma_start3A = arith.constant 0 : i32
        %dma_start3A_22 = tpu.memref_slice %arg8[%dma_start3A] : memref<10112xf32, #tpu.memory_space<vmem>> -> memref<632xf32, #tpu.memory_space<vmem>>
        %dma_start3A_23 = tpu.memref_slice %arg4[%mul3A_0] : memref<10112xf32, #tpu.memory_space<hbm>> -> memref<632xf32, #tpu.memory_space<hbm>>
        %dma_start3A_24 = arith.constant 0 : i32
        %dma_start3A_25 = tpu.memref_slice %arg8[%dma_start3A_24] : memref<10112xf32, #tpu.memory_space<vmem>> -> memref<632xf32, #tpu.memory_space<vmem>>
        %dma_start3A_26 = tpu.memref_slice %arg4[%mul3A_0] : memref<10112xf32, #tpu.memory_space<hbm>> -> memref<632xf32, #tpu.memory_space<hbm>>
        tpu.enqueue_dma source(%dma_start3A_26 : memref<632xf32, #tpu.memory_space<hbm>>) target(%dma_start3A_25 : memref<632xf32, #tpu.memory_space<vmem>>) target_semaphore(%run_scoped3A : memref<!tpu.dma_semaphore, #tpu.memory_space<semaphore_mem>>)
        %dma_wait3A = arith.constant 0 : i32
        %dma_wait3A_27 = tpu.memref_slice %arg8[%dma_wait3A] : memref<10112xf32, #tpu.memory_space<vmem>> -> memref<632xf32, #tpu.memory_space<vmem>>
        %dma_wait3A_28 = tpu.memref_slice %arg4[%mul3A_0] : memref<10112xf32, #tpu.memory_space<hbm>> -> memref<632xf32, #tpu.memory_space<hbm>>
        %dma_wait3A_29 = arith.constant 0 : i32
        %dma_wait3A_30 = tpu.memref_slice %arg8[%dma_wait3A_29] : memref<10112xf32, #tpu.memory_space<vmem>> -> memref<632xf32, #tpu.memory_space<vmem>>
        %dma_wait3A_31 = tpu.memref_slice %arg4[%mul3A_0] : memref<10112xf32, #tpu.memory_space<hbm>> -> memref<632xf32, #tpu.memory_space<hbm>>
        tpu.wait_dma2 semaphore(%run_scoped3A : memref<!tpu.dma_semaphore, #tpu.memory_space<semaphore_mem>>) src(%dma_wait3A_31 : memref<632xf32, #tpu.memory_space<hbm>>) dst(%dma_wait3A_30 : memref<632xf32, #tpu.memory_space<vmem>>)
        tpu.yield
      }) : () -> ()
    } else {
    }
    "tpu.region"() ({
      %run_scoped3A = tpu.sem_alloc : memref<!tpu.dma_semaphore, #tpu.memory_space<semaphore_mem>>
      %dma_start3A = arith.constant 0 : i32
      %dma_start3A_22 = tpu.memref_slice %arg8[%dma_start3A] : memref<10112xf32, #tpu.memory_space<vmem>> -> memref<632xf32, #tpu.memory_space<vmem>>
      %dma_start3A_23 = tpu.memref_slice %arg9[%mul3A_0] : memref<10112xf32, #tpu.memory_space<vmem_shared>> -> memref<632xf32, #tpu.memory_space<vmem_shared>>
      %dma_start3A_24 = tpu.memref_slice %arg9[%mul3A_0] : memref<10112xf32, #tpu.memory_space<vmem_shared>> -> memref<632xf32, #tpu.memory_space<vmem_shared>>
      %dma_start3A_25 = arith.constant 0 : i32
      %dma_start3A_26 = tpu.memref_slice %arg8[%dma_start3A_25] : memref<10112xf32, #tpu.memory_space<vmem>> -> memref<632xf32, #tpu.memory_space<vmem>>
      tpu.enqueue_dma source(%dma_start3A_26 : memref<632xf32, #tpu.memory_space<vmem>>) target(%dma_start3A_24 : memref<632xf32, #tpu.memory_space<vmem_shared>>) target_semaphore(%run_scoped3A : memref<!tpu.dma_semaphore, #tpu.memory_space<semaphore_mem>>)
      %dma_wait3A = arith.constant 0 : i32
      %dma_wait3A_27 = tpu.memref_slice %arg8[%dma_wait3A] : memref<10112xf32, #tpu.memory_space<vmem>> -> memref<632xf32, #tpu.memory_space<vmem>>
      %dma_wait3A_28 = tpu.memref_slice %arg9[%mul3A_0] : memref<10112xf32, #tpu.memory_space<vmem_shared>> -> memref<632xf32, #tpu.memory_space<vmem_shared>>
      %dma_wait3A_29 = tpu.memref_slice %arg9[%mul3A_0] : memref<10112xf32, #tpu.memory_space<vmem_shared>> -> memref<632xf32, #tpu.memory_space<vmem_shared>>
      %dma_wait3A_30 = arith.constant 0 : i32
      %dma_wait3A_31 = tpu.memref_slice %arg8[%dma_wait3A_30] : memref<10112xf32, #tpu.memory_space<vmem>> -> memref<632xf32, #tpu.memory_space<vmem>>
      tpu.wait_dma2 semaphore(%run_scoped3A : memref<!tpu.dma_semaphore, #tpu.memory_space<semaphore_mem>>) src(%dma_wait3A_31 : memref<632xf32, #tpu.memory_space<vmem>>) dst(%dma_wait3A_29 : memref<632xf32, #tpu.memory_space<vmem_shared>>)
      tpu.yield
    }) : () -> ()
    "tpu.region"() ({
      %run_scoped3A = tpu.sem_alloc : memref<!tpu.dma_semaphore, #tpu.memory_space<semaphore_mem>>
      %dma_start3A = arith.constant 0 : i32
      %dma_start3A_22 = tpu.memref_slice %arg3[%dma_start3A] : memref<10112xf32, #tpu.memory_space<hbm>> -> memref<128xf32, #tpu.memory_space<hbm>>
      %dma_start3A_23 = arith.constant 0 : i32
      %dma_start3A_24 = tpu.memref_slice %arg3[%dma_start3A_23] : memref<10112xf32, #tpu.memory_space<hbm>> -> memref<128xf32, #tpu.memory_space<hbm>>
      tpu.enqueue_dma source(%dma_start3A_24 : memref<128xf32, #tpu.memory_space<hbm>>) target(%arg7 : memref<128xf32, #tpu.memory_space<vmem>>) target_semaphore(%run_scoped3A : memref<!tpu.dma_semaphore, #tpu.memory_space<semaphore_mem>>)
      %dma_wait3A = arith.constant 0 : i32
      %dma_wait3A_25 = tpu.memref_slice %arg3[%dma_wait3A] : memref<10112xf32, #tpu.memory_space<hbm>> -> memref<128xf32, #tpu.memory_space<hbm>>
      %dma_wait3A_26 = arith.constant 0 : i32
      %dma_wait3A_27 = tpu.memref_slice %arg3[%dma_wait3A_26] : memref<10112xf32, #tpu.memory_space<hbm>> -> memref<128xf32, #tpu.memory_space<hbm>>
      tpu.wait_dma2 semaphore(%run_scoped3A : memref<!tpu.dma_semaphore, #tpu.memory_space<semaphore_mem>>) src(%dma_wait3A_27 : memref<128xf32, #tpu.memory_space<hbm>>) dst(%arg7 : memref<128xf32, #tpu.memory_space<vmem>>)
      tpu.yield
    }) : () -> ()
    %mul3A_7 = arith.constant 16 : i32
    %mul3A_8 = arith.muli %arg0, %mul3A_7 : i32
    %add3A = arith.addi %mul3A_8, %arg1 : i32
    %mul3A_9 = arith.constant 80 : i32
    %mul3A_10 = arith.muli %add3A, %mul3A_9 : i32
    "tpu.region"() ({
      %run_scoped3A = tpu.sem_alloc : memref<!tpu.dma_semaphore, #tpu.memory_space<semaphore_mem>>
      %dma_start3A = arith.constant 0 : i32
      %dma_start3A_22 = tpu.memref_slice %arg2[%mul3A_10, %dma_start3A] : memref<2560x128xi32, #tpu.memory_space<hbm>> -> memref<80x128xi32, #tpu.memory_space<hbm>>
      %dma_start3A_23 = arith.constant 0 : i32
      %dma_start3A_24 = tpu.memref_slice %arg2[%mul3A_10, %dma_start3A_23] : memref<2560x128xi32, #tpu.memory_space<hbm>> -> memref<80x128xi32, #tpu.memory_space<hbm>>
      tpu.enqueue_dma source(%dma_start3A_24 : memref<80x128xi32, #tpu.memory_space<hbm>>) target(%arg6 : memref<80x128xi32, #tpu.memory_space<vmem>>) target_semaphore(%run_scoped3A : memref<!tpu.dma_semaphore, #tpu.memory_space<semaphore_mem>>)
      %dma_wait3A = arith.constant 0 : i32
      %dma_wait3A_25 = tpu.memref_slice %arg2[%mul3A_10, %dma_wait3A] : memref<2560x128xi32, #tpu.memory_space<hbm>> -> memref<80x128xi32, #tpu.memory_space<hbm>>
      %dma_wait3A_26 = arith.constant 0 : i32
      %dma_wait3A_27 = tpu.memref_slice %arg2[%mul3A_10, %dma_wait3A_26] : memref<2560x128xi32, #tpu.memory_space<hbm>> -> memref<80x128xi32, #tpu.memory_space<hbm>>
      tpu.wait_dma2 semaphore(%run_scoped3A : memref<!tpu.dma_semaphore, #tpu.memory_space<semaphore_mem>>) src(%dma_wait3A_27 : memref<80x128xi32, #tpu.memory_space<hbm>>) dst(%arg6 : memref<80x128xi32, #tpu.memory_space<vmem>>)
      tpu.yield
    }) : () -> ()
    %barrier3A = arith.constant 0 : index
    tpu.barrier barrier_id(%barrier3A)
    %scan3A = arith.constant 0 : i32
    %scan3A_11 = arith.constant 0 : i32
    %scan3A_12 = arith.constant 80 : i32
    %scan3A_13 = arith.addi %scan3A_11, %scan3A_12 : i32
    %scan3A_14 = arith.constant 1 : i32
    scf.for %scan3A_22 = %scan3A_11 to %scan3A_13 step %scan3A_14  : i32 {
      "tpu.region"() ({
        %run_scoped3A = tpu.sem_alloc : memref<!tpu.dma_semaphore, #tpu.memory_space<semaphore_mem>>
        %dma_start3A = arith.constant 0 : i32
        %dma_start3A_23 = tpu.memref_slice %arg6[%scan3A_22, %dma_start3A] : memref<80x128xi32, #tpu.memory_space<vmem>> -> memref<1x128xi32, #tpu.memory_space<vmem>>
        %dma_start3A_24 = tpu.memref_squeeze %dma_start3A_23 : memref<1x128xi32, #tpu.memory_space<vmem>> -> memref<128xi32, #tpu.memory_space<vmem>>
        %dma_start3A_25 = arith.constant 0 : i32
        %dma_start3A_26 = tpu.memref_slice %arg9[%dma_start3A_25] : memref<10112xf32, #tpu.memory_space<vmem_shared>> -> memref<10112xf32, #tpu.memory_space<vmem_shared>>
        tpu.enqueue_indirect_dma source(%arg7 : memref<128xf32, #tpu.memory_space<vmem>>) target(%dma_start3A_26 : memref<10112xf32, #tpu.memory_space<vmem_shared>>) offsets(%dma_start3A_24 : memref<128xi32, #tpu.memory_space<vmem>>) semaphore(%run_scoped3A : memref<!tpu.dma_semaphore, #tpu.memory_space<semaphore_mem>>) {add = true}
        %dma_wait3A = arith.constant 0 : i32
        %dma_wait3A_27 = tpu.memref_slice %arg6[%scan3A_22, %dma_wait3A] : memref<80x128xi32, #tpu.memory_space<vmem>> -> memref<1x128xi32, #tpu.memory_space<vmem>>
        %dma_wait3A_28 = tpu.memref_squeeze %dma_wait3A_27 : memref<1x128xi32, #tpu.memory_space<vmem>> -> memref<128xi32, #tpu.memory_space<vmem>>
        %dma_wait3A_29 = arith.constant 0 : i32
        %dma_wait3A_30 = tpu.memref_slice %arg9[%dma_wait3A_29] : memref<10112xf32, #tpu.memory_space<vmem_shared>> -> memref<10112xf32, #tpu.memory_space<vmem_shared>>
        tpu.wait_indirect_dma semaphore(%run_scoped3A : memref<!tpu.dma_semaphore, #tpu.memory_space<semaphore_mem>>) src(%arg7 : memref<128xf32, #tpu.memory_space<vmem>>) dst(%dma_wait3A_30 : memref<10112xf32, #tpu.memory_space<vmem_shared>>)
        tpu.yield
      }) : () -> ()
    }
    %scan3A_15 = arith.constant 80 : i32
    %barrier3A_16 = arith.constant 0 : index
    tpu.barrier barrier_id(%barrier3A_16)
    %eq3A_17 = arith.constant 0 : i32
    %eq3A_18 = arith.cmpi eq, %arg1, %eq3A_17 : i32
    %convert_element_type3A_19 = arith.extui %eq3A_18 : i1 to i32
    %cond3A_20 = arith.constant 0 : i32
    %cond3A_21 = arith.cmpi ne, %convert_element_type3A_19, %cond3A_20 : i32
    scf.if %cond3A_21 {
      "tpu.region"() ({
        %run_scoped3A = tpu.sem_alloc : memref<!tpu.dma_semaphore, #tpu.memory_space<semaphore_mem>>
        tpu.enqueue_dma source(%arg9 : memref<10112xf32, #tpu.memory_space<vmem_shared>>) target(%arg8 : memref<10112xf32, #tpu.memory_space<vmem>>) target_semaphore(%run_scoped3A : memref<!tpu.dma_semaphore, #tpu.memory_space<semaphore_mem>>)
        tpu.wait_dma2 semaphore(%run_scoped3A : memref<!tpu.dma_semaphore, #tpu.memory_space<semaphore_mem>>) src(%arg9 : memref<10112xf32, #tpu.memory_space<vmem_shared>>) dst(%arg8 : memref<10112xf32, #tpu.memory_space<vmem>>)
        tpu.yield
      }) : () -> ()
      "tpu.region"() ({
        %run_scoped3A = tpu.sem_alloc : memref<!tpu.dma_semaphore, #tpu.memory_space<semaphore_mem>>
        %dma_start3A = arith.constant 0 : i32
        %dma_start3A_22 = tpu.memref_slice %arg5[%arg0, %dma_start3A] : memref<2x10112xf32, #tpu.memory_space<hbm>> -> memref<1x10112xf32, #tpu.memory_space<hbm>>
        %dma_start3A_23 = tpu.memref_squeeze %dma_start3A_22 : memref<1x10112xf32, #tpu.memory_space<hbm>> -> memref<10112xf32, #tpu.memory_space<hbm>>
        %dma_start3A_24 = arith.constant 0 : i32
        %dma_start3A_25 = tpu.memref_slice %arg5[%arg0, %dma_start3A_24] : memref<2x10112xf32, #tpu.memory_space<hbm>> -> memref<1x10112xf32, #tpu.memory_space<hbm>>
        %dma_start3A_26 = tpu.memref_squeeze %dma_start3A_25 : memref<1x10112xf32, #tpu.memory_space<hbm>> -> memref<10112xf32, #tpu.memory_space<hbm>>
        tpu.enqueue_dma source(%arg8 : memref<10112xf32, #tpu.memory_space<vmem>>) target(%dma_start3A_26 : memref<10112xf32, #tpu.memory_space<hbm>>) target_semaphore(%run_scoped3A : memref<!tpu.dma_semaphore, #tpu.memory_space<semaphore_mem>>)
        %dma_wait3A = arith.constant 0 : i32
        %dma_wait3A_27 = tpu.memref_slice %arg5[%arg0, %dma_wait3A] : memref<2x10112xf32, #tpu.memory_space<hbm>> -> memref<1x10112xf32, #tpu.memory_space<hbm>>
        %dma_wait3A_28 = tpu.memref_squeeze %dma_wait3A_27 : memref<1x10112xf32, #tpu.memory_space<hbm>> -> memref<10112xf32, #tpu.memory_space<hbm>>
        %dma_wait3A_29 = arith.constant 0 : i32
        %dma_wait3A_30 = tpu.memref_slice %arg5[%arg0, %dma_wait3A_29] : memref<2x10112xf32, #tpu.memory_space<hbm>> -> memref<1x10112xf32, #tpu.memory_space<hbm>>
        %dma_wait3A_31 = tpu.memref_squeeze %dma_wait3A_30 : memref<1x10112xf32, #tpu.memory_space<hbm>> -> memref<10112xf32, #tpu.memory_space<hbm>>
        tpu.wait_dma2 semaphore(%run_scoped3A : memref<!tpu.dma_semaphore, #tpu.memory_space<semaphore_mem>>) src(%arg8 : memref<10112xf32, #tpu.memory_space<vmem>>) dst(%dma_wait3A_31 : memref<10112xf32, #tpu.memory_space<hbm>>)
        tpu.yield
      }) : () -> ()
    } else {
    }
    return
  }
}

#map = affine_map<(d0, d1) -> (0, 0)>
#map1 = affine_map<(d0, d1) -> (0, 0, 0)>
module attributes {stable_mosaic.version = 14 : i64} {
  func.func @_sc_agg_body(%arg0: i32, %arg1: i32, %arg2: memref<10112x128xf32, #tpu.memory_space<hbm>>, %arg3: memref<2560x128xi32, #tpu.memory_space<hbm>>, %arg4: memref<2560x128xi32, #tpu.memory_space<hbm>>, %arg5: memref<632x128xf32, #tpu.memory_space<hbm>>, %arg6: memref<2x10112x128xf32, #tpu.memory_space<hbm>>, %arg7: memref<40x128xi32, #tpu.memory_space<vmem>>, %arg8: memref<40x128xi32, #tpu.memory_space<vmem>>, %arg9: memref<128x128xf32, #tpu.memory_space<vmem>>, %arg10: memref<128x128xf32, #tpu.memory_space<vmem>>, %arg11: memref<10112x128xf32, #tpu.memory_space<vmem_shared>>, %arg12: memref<!tpu.dma_semaphore, #tpu.memory_space<semaphore_mem>>, %arg13: memref<!tpu.dma_semaphore, #tpu.memory_space<semaphore_mem>>) attributes {dimension_semantics = [#tpu.dimension_semantics<core_parallel>, #tpu.dimension_semantics<subcore_parallel>], iteration_bounds = array<i64: 2, 16>, scalar_prefetch = 0 : i64, scratch_operands = 7 : i64, tpu.core_type = #tpu.core_type<sc_vector_subcore>, window_params = [{transform_indices = #map}, {transform_indices = #map}, {transform_indices = #map}, {transform_indices = #map}, {transform_indices = #map1}]} {
    %mul3A = arith.constant 632 : i32
    %mul3A_0 = arith.muli %arg1, %mul3A : i32
    %eq3A = arith.constant 0 : i32
    %eq3A_1 = arith.cmpi eq, %arg0, %eq3A : i32
    %convert_element_type3A = arith.extui %eq3A_1 : i1 to i32
    %cond3A = arith.constant 0 : i32
    %cond3A_2 = arith.cmpi ne, %convert_element_type3A, %cond3A : i32
    scf.if %cond3A_2 {
      "tpu.region"() ({
        %run_scoped3A = tpu.sem_alloc : memref<!tpu.dma_semaphore, #tpu.memory_space<semaphore_mem>>
        %dma_start3A_56 = arith.constant 0 : i32
        %dma_start3A_57 = tpu.memref_slice %arg11[%mul3A_0, %dma_start3A_56] : memref<10112x128xf32, #tpu.memory_space<vmem_shared>> -> memref<632x128xf32, #tpu.memory_space<vmem_shared>>
        %dma_start3A_58 = arith.constant 0 : i32
        %dma_start3A_59 = tpu.memref_slice %arg2[%mul3A_0, %dma_start3A_58] : memref<10112x128xf32, #tpu.memory_space<hbm>> -> memref<632x128xf32, #tpu.memory_space<hbm>>
        tpu.enqueue_dma source(%dma_start3A_59 : memref<632x128xf32, #tpu.memory_space<hbm>>) target(%dma_start3A_57 : memref<632x128xf32, #tpu.memory_space<vmem_shared>>) target_semaphore(%run_scoped3A : memref<!tpu.dma_semaphore, #tpu.memory_space<semaphore_mem>>)
        %dma_wait3A = arith.constant 0 : i32
        %dma_wait3A_60 = tpu.memref_slice %arg11[%mul3A_0, %dma_wait3A] : memref<10112x128xf32, #tpu.memory_space<vmem_shared>> -> memref<632x128xf32, #tpu.memory_space<vmem_shared>>
        %dma_wait3A_61 = arith.constant 0 : i32
        %dma_wait3A_62 = tpu.memref_slice %arg2[%mul3A_0, %dma_wait3A_61] : memref<10112x128xf32, #tpu.memory_space<hbm>> -> memref<632x128xf32, #tpu.memory_space<hbm>>
        tpu.wait_dma2 semaphore(%run_scoped3A : memref<!tpu.dma_semaphore, #tpu.memory_space<semaphore_mem>>) src(%dma_wait3A_62 : memref<632x128xf32, #tpu.memory_space<hbm>>) dst(%dma_wait3A_60 : memref<632x128xf32, #tpu.memory_space<vmem_shared>>)
        tpu.yield
      }) : () -> ()
    } else {
    }
    %ne3A = arith.constant 0 : i32
    %ne3A_3 = arith.cmpi ne, %arg0, %ne3A : i32
    %convert_element_type3A_4 = arith.extui %ne3A_3 : i1 to i32
    %cond3A_5 = arith.constant 0 : i32
    %cond3A_6 = arith.cmpi ne, %convert_element_type3A_4, %cond3A_5 : i32
    scf.if %cond3A_6 {
      "tpu.region"() ({
        %run_scoped3A = tpu.sem_alloc : memref<!tpu.dma_semaphore, #tpu.memory_space<semaphore_mem>>
        %dma_start3A_56 = arith.constant 0 : i32
        %dma_start3A_57 = tpu.memref_slice %arg11[%mul3A_0, %dma_start3A_56] : memref<10112x128xf32, #tpu.memory_space<vmem_shared>> -> memref<632x128xf32, #tpu.memory_space<vmem_shared>>
        tpu.enqueue_dma source(%arg5 : memref<632x128xf32, #tpu.memory_space<hbm>>) target(%dma_start3A_57 : memref<632x128xf32, #tpu.memory_space<vmem_shared>>) target_semaphore(%run_scoped3A : memref<!tpu.dma_semaphore, #tpu.memory_space<semaphore_mem>>)
        %dma_wait3A = arith.constant 0 : i32
        %dma_wait3A_58 = tpu.memref_slice %arg11[%mul3A_0, %dma_wait3A] : memref<10112x128xf32, #tpu.memory_space<vmem_shared>> -> memref<632x128xf32, #tpu.memory_space<vmem_shared>>
        tpu.wait_dma2 semaphore(%run_scoped3A : memref<!tpu.dma_semaphore, #tpu.memory_space<semaphore_mem>>) src(%arg5 : memref<632x128xf32, #tpu.memory_space<hbm>>) dst(%dma_wait3A_58 : memref<632x128xf32, #tpu.memory_space<vmem_shared>>)
        tpu.yield
      }) : () -> ()
    } else {
    }
    %barrier3A = arith.constant 0 : index
    tpu.barrier barrier_id(%barrier3A)
    %mul3A_7 = arith.constant 16 : i32
    %mul3A_8 = arith.muli %arg0, %mul3A_7 : i32
    %add3A = arith.addi %mul3A_8, %arg1 : i32
    %mul3A_9 = arith.constant 80 : i32
    %mul3A_10 = arith.muli %add3A, %mul3A_9 : i32
    %add3A_11 = arith.constant 0 : i32
    %add3A_12 = arith.addi %mul3A_10, %add3A_11 : i32
    "tpu.region"() ({
      %run_scoped3A = tpu.sem_alloc : memref<!tpu.dma_semaphore, #tpu.memory_space<semaphore_mem>>
      %dma_start3A_56 = arith.constant 0 : i32
      %dma_start3A_57 = tpu.memref_slice %arg3[%add3A_12, %dma_start3A_56] : memref<2560x128xi32, #tpu.memory_space<hbm>> -> memref<40x128xi32, #tpu.memory_space<hbm>>
      %dma_start3A_58 = arith.constant 0 : i32
      %dma_start3A_59 = tpu.memref_slice %arg3[%add3A_12, %dma_start3A_58] : memref<2560x128xi32, #tpu.memory_space<hbm>> -> memref<40x128xi32, #tpu.memory_space<hbm>>
      tpu.enqueue_dma source(%dma_start3A_59 : memref<40x128xi32, #tpu.memory_space<hbm>>) target(%arg7 : memref<40x128xi32, #tpu.memory_space<vmem>>) target_semaphore(%run_scoped3A : memref<!tpu.dma_semaphore, #tpu.memory_space<semaphore_mem>>)
      %dma_wait3A = arith.constant 0 : i32
      %dma_wait3A_60 = tpu.memref_slice %arg3[%add3A_12, %dma_wait3A] : memref<2560x128xi32, #tpu.memory_space<hbm>> -> memref<40x128xi32, #tpu.memory_space<hbm>>
      %dma_wait3A_61 = arith.constant 0 : i32
      %dma_wait3A_62 = tpu.memref_slice %arg3[%add3A_12, %dma_wait3A_61] : memref<2560x128xi32, #tpu.memory_space<hbm>> -> memref<40x128xi32, #tpu.memory_space<hbm>>
      tpu.wait_dma2 semaphore(%run_scoped3A : memref<!tpu.dma_semaphore, #tpu.memory_space<semaphore_mem>>) src(%dma_wait3A_62 : memref<40x128xi32, #tpu.memory_space<hbm>>) dst(%arg7 : memref<40x128xi32, #tpu.memory_space<vmem>>)
      tpu.yield
    }) : () -> ()
    "tpu.region"() ({
      %run_scoped3A = tpu.sem_alloc : memref<!tpu.dma_semaphore, #tpu.memory_space<semaphore_mem>>
      %dma_start3A_56 = arith.constant 0 : i32
      %dma_start3A_57 = tpu.memref_slice %arg4[%add3A_12, %dma_start3A_56] : memref<2560x128xi32, #tpu.memory_space<hbm>> -> memref<40x128xi32, #tpu.memory_space<hbm>>
      %dma_start3A_58 = arith.constant 0 : i32
      %dma_start3A_59 = tpu.memref_slice %arg4[%add3A_12, %dma_start3A_58] : memref<2560x128xi32, #tpu.memory_space<hbm>> -> memref<40x128xi32, #tpu.memory_space<hbm>>
      tpu.enqueue_dma source(%dma_start3A_59 : memref<40x128xi32, #tpu.memory_space<hbm>>) target(%arg8 : memref<40x128xi32, #tpu.memory_space<vmem>>) target_semaphore(%run_scoped3A : memref<!tpu.dma_semaphore, #tpu.memory_space<semaphore_mem>>)
      %dma_wait3A = arith.constant 0 : i32
      %dma_wait3A_60 = tpu.memref_slice %arg4[%add3A_12, %dma_wait3A] : memref<2560x128xi32, #tpu.memory_space<hbm>> -> memref<40x128xi32, #tpu.memory_space<hbm>>
      %dma_wait3A_61 = arith.constant 0 : i32
      %dma_wait3A_62 = tpu.memref_slice %arg4[%add3A_12, %dma_wait3A_61] : memref<2560x128xi32, #tpu.memory_space<hbm>> -> memref<40x128xi32, #tpu.memory_space<hbm>>
      tpu.wait_dma2 semaphore(%run_scoped3A : memref<!tpu.dma_semaphore, #tpu.memory_space<semaphore_mem>>) src(%dma_wait3A_62 : memref<40x128xi32, #tpu.memory_space<hbm>>) dst(%arg8 : memref<40x128xi32, #tpu.memory_space<vmem>>)
      tpu.yield
    }) : () -> ()
    %dma_start3A = arith.constant 0 : i32
    %dma_start3A_13 = arith.constant 0 : i32
    %dma_start3A_14 = tpu.memref_slice %arg7[%dma_start3A, %dma_start3A_13] : memref<40x128xi32, #tpu.memory_space<vmem>> -> memref<1x128xi32, #tpu.memory_space<vmem>>
    %dma_start3A_15 = tpu.memref_squeeze %dma_start3A_14 : memref<1x128xi32, #tpu.memory_space<vmem>> -> memref<128xi32, #tpu.memory_space<vmem>>
    %dma_start3A_16 = arith.constant 0 : i32
    %dma_start3A_17 = arith.constant 0 : i32
    %dma_start3A_18 = tpu.memref_slice %arg2[%dma_start3A_16, %dma_start3A_17] : memref<10112x128xf32, #tpu.memory_space<hbm>> -> memref<10112x128xf32, #tpu.memory_space<hbm>>
    tpu.enqueue_indirect_dma source(%dma_start3A_18 : memref<10112x128xf32, #tpu.memory_space<hbm>>) target(%arg9 : memref<128x128xf32, #tpu.memory_space<vmem>>) offsets(%dma_start3A_15 : memref<128xi32, #tpu.memory_space<vmem>>) semaphore(%arg12 : memref<!tpu.dma_semaphore, #tpu.memory_space<semaphore_mem>>)
    %dma_start3A_19 = arith.constant 1 : i32
    %dma_start3A_20 = arith.constant 0 : i32
    %dma_start3A_21 = tpu.memref_slice %arg7[%dma_start3A_19, %dma_start3A_20] : memref<40x128xi32, #tpu.memory_space<vmem>> -> memref<1x128xi32, #tpu.memory_space<vmem>>
    %dma_start3A_22 = tpu.memref_squeeze %dma_start3A_21 : memref<1x128xi32, #tpu.memory_space<vmem>> -> memref<128xi32, #tpu.memory_space<vmem>>
    %dma_start3A_23 = arith.constant 0 : i32
    %dma_start3A_24 = arith.constant 0 : i32
    %dma_start3A_25 = tpu.memref_slice %arg2[%dma_start3A_23, %dma_start3A_24] : memref<10112x128xf32, #tpu.memory_space<hbm>> -> memref<10112x128xf32, #tpu.memory_space<hbm>>
    tpu.enqueue_indirect_dma source(%dma_start3A_25 : memref<10112x128xf32, #tpu.memory_space<hbm>>) target(%arg10 : memref<128x128xf32, #tpu.memory_space<vmem>>) offsets(%dma_start3A_22 : memref<128xi32, #tpu.memory_space<vmem>>) semaphore(%arg13 : memref<!tpu.dma_semaphore, #tpu.memory_space<semaphore_mem>>)
    %scan3A = arith.constant 0 : i32
    %scan3A_26 = arith.constant 0 : i32
    %scan3A_27 = arith.constant 20 : i32
    %scan3A_28 = arith.addi %scan3A_26, %scan3A_27 : i32
    %scan3A_29 = arith.constant 1 : i32
    scf.for %scan3A_56 = %scan3A_26 to %scan3A_28 step %scan3A_29  : i32 {
      %mul3A_57 = arith.constant 2 : i32
      %mul3A_58 = arith.muli %mul3A_57, %scan3A_56 : i32
      %mul3A_59 = arith.constant 2 : i32
      %mul3A_60 = arith.muli %mul3A_59, %scan3A_56 : i32
      %add3A_61 = arith.constant 1 : i32
      %add3A_62 = arith.addi %mul3A_60, %add3A_61 : i32
      %dma_wait3A = arith.constant 0 : i32
      %dma_wait3A_63 = tpu.memref_slice %arg7[%mul3A_58, %dma_wait3A] : memref<40x128xi32, #tpu.memory_space<vmem>> -> memref<1x128xi32, #tpu.memory_space<vmem>>
      %dma_wait3A_64 = tpu.memref_squeeze %dma_wait3A_63 : memref<1x128xi32, #tpu.memory_space<vmem>> -> memref<128xi32, #tpu.memory_space<vmem>>
      %dma_wait3A_65 = arith.constant 0 : i32
      %dma_wait3A_66 = arith.constant 0 : i32
      %dma_wait3A_67 = tpu.memref_slice %arg2[%dma_wait3A_65, %dma_wait3A_66] : memref<10112x128xf32, #tpu.memory_space<hbm>> -> memref<10112x128xf32, #tpu.memory_space<hbm>>
      tpu.wait_indirect_dma semaphore(%arg12 : memref<!tpu.dma_semaphore, #tpu.memory_space<semaphore_mem>>) src(%dma_wait3A_67 : memref<10112x128xf32, #tpu.memory_space<hbm>>) dst(%arg9 : memref<128x128xf32, #tpu.memory_space<vmem>>)
      "tpu.region"() ({
        %run_scoped3A = tpu.sem_alloc : memref<!tpu.dma_semaphore, #tpu.memory_space<semaphore_mem>>
        %dma_start3A_87 = arith.constant 0 : i32
        %dma_start3A_88 = tpu.memref_slice %arg8[%mul3A_58, %dma_start3A_87] : memref<40x128xi32, #tpu.memory_space<vmem>> -> memref<1x128xi32, #tpu.memory_space<vmem>>
        %dma_start3A_89 = tpu.memref_squeeze %dma_start3A_88 : memref<1x128xi32, #tpu.memory_space<vmem>> -> memref<128xi32, #tpu.memory_space<vmem>>
        %dma_start3A_90 = arith.constant 0 : i32
        %dma_start3A_91 = arith.constant 0 : i32
        %dma_start3A_92 = tpu.memref_slice %arg11[%dma_start3A_90, %dma_start3A_91] : memref<10112x128xf32, #tpu.memory_space<vmem_shared>> -> memref<10112x128xf32, #tpu.memory_space<vmem_shared>>
        tpu.enqueue_indirect_dma source(%arg9 : memref<128x128xf32, #tpu.memory_space<vmem>>) target(%dma_start3A_92 : memref<10112x128xf32, #tpu.memory_space<vmem_shared>>) offsets(%dma_start3A_89 : memref<128xi32, #tpu.memory_space<vmem>>) semaphore(%run_scoped3A : memref<!tpu.dma_semaphore, #tpu.memory_space<semaphore_mem>>) {add = true}
        %dma_wait3A_93 = arith.constant 0 : i32
        %dma_wait3A_94 = tpu.memref_slice %arg8[%mul3A_58, %dma_wait3A_93] : memref<40x128xi32, #tpu.memory_space<vmem>> -> memref<1x128xi32, #tpu.memory_space<vmem>>
        %dma_wait3A_95 = tpu.memref_squeeze %dma_wait3A_94 : memref<1x128xi32, #tpu.memory_space<vmem>> -> memref<128xi32, #tpu.memory_space<vmem>>
        %dma_wait3A_96 = arith.constant 0 : i32
        %dma_wait3A_97 = arith.constant 0 : i32
        %dma_wait3A_98 = tpu.memref_slice %arg11[%dma_wait3A_96, %dma_wait3A_97] : memref<10112x128xf32, #tpu.memory_space<vmem_shared>> -> memref<10112x128xf32, #tpu.memory_space<vmem_shared>>
        tpu.wait_indirect_dma semaphore(%run_scoped3A : memref<!tpu.dma_semaphore, #tpu.memory_space<semaphore_mem>>) src(%arg9 : memref<128x128xf32, #tpu.memory_space<vmem>>) dst(%dma_wait3A_98 : memref<10112x128xf32, #tpu.memory_space<vmem_shared>>)
        tpu.yield
      }) : () -> ()
      %add3A_68 = arith.constant 2 : i32
      %add3A_69 = arith.addi %mul3A_58, %add3A_68 : i32
      %lt3A = arith.constant 40 : i32
      %lt3A_70 = arith.cmpi slt, %add3A_69, %lt3A : i32
      %convert_element_type3A_71 = arith.extui %lt3A_70 : i1 to i32
      %cond3A_72 = arith.constant 0 : i32
      %cond3A_73 = arith.cmpi ne, %convert_element_type3A_71, %cond3A_72 : i32
      scf.if %cond3A_73 {
        %add3A_87 = arith.constant 2 : i32
        %add3A_88 = arith.addi %mul3A_58, %add3A_87 : i32
        %dma_start3A_89 = arith.constant 0 : i32
        %dma_start3A_90 = tpu.memref_slice %arg7[%add3A_88, %dma_start3A_89] : memref<40x128xi32, #tpu.memory_space<vmem>> -> memref<1x128xi32, #tpu.memory_space<vmem>>
        %dma_start3A_91 = tpu.memref_squeeze %dma_start3A_90 : memref<1x128xi32, #tpu.memory_space<vmem>> -> memref<128xi32, #tpu.memory_space<vmem>>
        %dma_start3A_92 = arith.constant 0 : i32
        %dma_start3A_93 = arith.constant 0 : i32
        %dma_start3A_94 = tpu.memref_slice %arg2[%dma_start3A_92, %dma_start3A_93] : memref<10112x128xf32, #tpu.memory_space<hbm>> -> memref<10112x128xf32, #tpu.memory_space<hbm>>
        tpu.enqueue_indirect_dma source(%dma_start3A_94 : memref<10112x128xf32, #tpu.memory_space<hbm>>) target(%arg9 : memref<128x128xf32, #tpu.memory_space<vmem>>) offsets(%dma_start3A_91 : memref<128xi32, #tpu.memory_space<vmem>>) semaphore(%arg12 : memref<!tpu.dma_semaphore, #tpu.memory_space<semaphore_mem>>)
      } else {
      }
      %dma_wait3A_74 = arith.constant 0 : i32
      %dma_wait3A_75 = tpu.memref_slice %arg7[%add3A_62, %dma_wait3A_74] : memref<40x128xi32, #tpu.memory_space<vmem>> -> memref<1x128xi32, #tpu.memory_space<vmem>>
      %dma_wait3A_76 = tpu.memref_squeeze %dma_wait3A_75 : memref<1x128xi32, #tpu.memory_space<vmem>> -> memref<128xi32, #tpu.memory_space<vmem>>
      %dma_wait3A_77 = arith.constant 0 : i32
      %dma_wait3A_78 = arith.constant 0 : i32
      %dma_wait3A_79 = tpu.memref_slice %arg2[%dma_wait3A_77, %dma_wait3A_78] : memref<10112x128xf32, #tpu.memory_space<hbm>> -> memref<10112x128xf32, #tpu.memory_space<hbm>>
      tpu.wait_indirect_dma semaphore(%arg13 : memref<!tpu.dma_semaphore, #tpu.memory_space<semaphore_mem>>) src(%dma_wait3A_79 : memref<10112x128xf32, #tpu.memory_space<hbm>>) dst(%arg10 : memref<128x128xf32, #tpu.memory_space<vmem>>)
      "tpu.region"() ({
        %run_scoped3A = tpu.sem_alloc : memref<!tpu.dma_semaphore, #tpu.memory_space<semaphore_mem>>
        %dma_start3A_87 = arith.constant 0 : i32
        %dma_start3A_88 = tpu.memref_slice %arg8[%add3A_62, %dma_start3A_87] : memref<40x128xi32, #tpu.memory_space<vmem>> -> memref<1x128xi32, #tpu.memory_space<vmem>>
        %dma_start3A_89 = tpu.memref_squeeze %dma_start3A_88 : memref<1x128xi32, #tpu.memory_space<vmem>> -> memref<128xi32, #tpu.memory_space<vmem>>
        %dma_start3A_90 = arith.constant 0 : i32
        %dma_start3A_91 = arith.constant 0 : i32
        %dma_start3A_92 = tpu.memref_slice %arg11[%dma_start3A_90, %dma_start3A_91] : memref<10112x128xf32, #tpu.memory_space<vmem_shared>> -> memref<10112x128xf32, #tpu.memory_space<vmem_shared>>
        tpu.enqueue_indirect_dma source(%arg10 : memref<128x128xf32, #tpu.memory_space<vmem>>) target(%dma_start3A_92 : memref<10112x128xf32, #tpu.memory_space<vmem_shared>>) offsets(%dma_start3A_89 : memref<128xi32, #tpu.memory_space<vmem>>) semaphore(%run_scoped3A : memref<!tpu.dma_semaphore, #tpu.memory_space<semaphore_mem>>) {add = true}
        %dma_wait3A_93 = arith.constant 0 : i32
        %dma_wait3A_94 = tpu.memref_slice %arg8[%add3A_62, %dma_wait3A_93] : memref<40x128xi32, #tpu.memory_space<vmem>> -> memref<1x128xi32, #tpu.memory_space<vmem>>
        %dma_wait3A_95 = tpu.memref_squeeze %dma_wait3A_94 : memref<1x128xi32, #tpu.memory_space<vmem>> -> memref<128xi32, #tpu.memory_space<vmem>>
        %dma_wait3A_96 = arith.constant 0 : i32
        %dma_wait3A_97 = arith.constant 0 : i32
        %dma_wait3A_98 = tpu.memref_slice %arg11[%dma_wait3A_96, %dma_wait3A_97] : memref<10112x128xf32, #tpu.memory_space<vmem_shared>> -> memref<10112x128xf32, #tpu.memory_space<vmem_shared>>
        tpu.wait_indirect_dma semaphore(%run_scoped3A : memref<!tpu.dma_semaphore, #tpu.memory_space<semaphore_mem>>) src(%arg10 : memref<128x128xf32, #tpu.memory_space<vmem>>) dst(%dma_wait3A_98 : memref<10112x128xf32, #tpu.memory_space<vmem_shared>>)
        tpu.yield
      }) : () -> ()
      %add3A_80 = arith.constant 2 : i32
      %add3A_81 = arith.addi %add3A_62, %add3A_80 : i32
      %lt3A_82 = arith.constant 40 : i32
      %lt3A_83 = arith.cmpi slt, %add3A_81, %lt3A_82 : i32
      %convert_element_type3A_84 = arith.extui %lt3A_83 : i1 to i32
      %cond3A_85 = arith.constant 0 : i32
      %cond3A_86 = arith.cmpi ne, %convert_element_type3A_84, %cond3A_85 : i32
      scf.if %cond3A_86 {
        %add3A_87 = arith.constant 2 : i32
        %add3A_88 = arith.addi %add3A_62, %add3A_87 : i32
        %dma_start3A_89 = arith.constant 0 : i32
        %dma_start3A_90 = tpu.memref_slice %arg7[%add3A_88, %dma_start3A_89] : memref<40x128xi32, #tpu.memory_space<vmem>> -> memref<1x128xi32, #tpu.memory_space<vmem>>
        %dma_start3A_91 = tpu.memref_squeeze %dma_start3A_90 : memref<1x128xi32, #tpu.memory_space<vmem>> -> memref<128xi32, #tpu.memory_space<vmem>>
        %dma_start3A_92 = arith.constant 0 : i32
        %dma_start3A_93 = arith.constant 0 : i32
        %dma_start3A_94 = tpu.memref_slice %arg2[%dma_start3A_92, %dma_start3A_93] : memref<10112x128xf32, #tpu.memory_space<hbm>> -> memref<10112x128xf32, #tpu.memory_space<hbm>>
        tpu.enqueue_indirect_dma source(%dma_start3A_94 : memref<10112x128xf32, #tpu.memory_space<hbm>>) target(%arg10 : memref<128x128xf32, #tpu.memory_space<vmem>>) offsets(%dma_start3A_91 : memref<128xi32, #tpu.memory_space<vmem>>) semaphore(%arg13 : memref<!tpu.dma_semaphore, #tpu.memory_space<semaphore_mem>>)
      } else {
      }
    }
    %scan3A_30 = arith.constant 20 : i32
    %mul3A_31 = arith.constant 80 : i32
    %mul3A_32 = arith.muli %add3A, %mul3A_31 : i32
    %add3A_33 = arith.constant 40 : i32
    %add3A_34 = arith.addi %mul3A_32, %add3A_33 : i32
    "tpu.region"() ({
      %run_scoped3A = tpu.sem_alloc : memref<!tpu.dma_semaphore, #tpu.memory_space<semaphore_mem>>
      %dma_start3A_56 = arith.constant 0 : i32
      %dma_start3A_57 = tpu.memref_slice %arg3[%add3A_34, %dma_start3A_56] : memref<2560x128xi32, #tpu.memory_space<hbm>> -> memref<40x128xi32, #tpu.memory_space<hbm>>
      %dma_start3A_58 = arith.constant 0 : i32
      %dma_start3A_59 = tpu.memref_slice %arg3[%add3A_34, %dma_start3A_58] : memref<2560x128xi32, #tpu.memory_space<hbm>> -> memref<40x128xi32, #tpu.memory_space<hbm>>
      tpu.enqueue_dma source(%dma_start3A_59 : memref<40x128xi32, #tpu.memory_space<hbm>>) target(%arg7 : memref<40x128xi32, #tpu.memory_space<vmem>>) target_semaphore(%run_scoped3A : memref<!tpu.dma_semaphore, #tpu.memory_space<semaphore_mem>>)
      %dma_wait3A = arith.constant 0 : i32
      %dma_wait3A_60 = tpu.memref_slice %arg3[%add3A_34, %dma_wait3A] : memref<2560x128xi32, #tpu.memory_space<hbm>> -> memref<40x128xi32, #tpu.memory_space<hbm>>
      %dma_wait3A_61 = arith.constant 0 : i32
      %dma_wait3A_62 = tpu.memref_slice %arg3[%add3A_34, %dma_wait3A_61] : memref<2560x128xi32, #tpu.memory_space<hbm>> -> memref<40x128xi32, #tpu.memory_space<hbm>>
      tpu.wait_dma2 semaphore(%run_scoped3A : memref<!tpu.dma_semaphore, #tpu.memory_space<semaphore_mem>>) src(%dma_wait3A_62 : memref<40x128xi32, #tpu.memory_space<hbm>>) dst(%arg7 : memref<40x128xi32, #tpu.memory_space<vmem>>)
      tpu.yield
    }) : () -> ()
    "tpu.region"() ({
      %run_scoped3A = tpu.sem_alloc : memref<!tpu.dma_semaphore, #tpu.memory_space<semaphore_mem>>
      %dma_start3A_56 = arith.constant 0 : i32
      %dma_start3A_57 = tpu.memref_slice %arg4[%add3A_34, %dma_start3A_56] : memref<2560x128xi32, #tpu.memory_space<hbm>> -> memref<40x128xi32, #tpu.memory_space<hbm>>
      %dma_start3A_58 = arith.constant 0 : i32
      %dma_start3A_59 = tpu.memref_slice %arg4[%add3A_34, %dma_start3A_58] : memref<2560x128xi32, #tpu.memory_space<hbm>> -> memref<40x128xi32, #tpu.memory_space<hbm>>
      tpu.enqueue_dma source(%dma_start3A_59 : memref<40x128xi32, #tpu.memory_space<hbm>>) target(%arg8 : memref<40x128xi32, #tpu.memory_space<vmem>>) target_semaphore(%run_scoped3A : memref<!tpu.dma_semaphore, #tpu.memory_space<semaphore_mem>>)
      %dma_wait3A = arith.constant 0 : i32
      %dma_wait3A_60 = tpu.memref_slice %arg4[%add3A_34, %dma_wait3A] : memref<2560x128xi32, #tpu.memory_space<hbm>> -> memref<40x128xi32, #tpu.memory_space<hbm>>
      %dma_wait3A_61 = arith.constant 0 : i32
      %dma_wait3A_62 = tpu.memref_slice %arg4[%add3A_34, %dma_wait3A_61] : memref<2560x128xi32, #tpu.memory_space<hbm>> -> memref<40x128xi32, #tpu.memory_space<hbm>>
      tpu.wait_dma2 semaphore(%run_scoped3A : memref<!tpu.dma_semaphore, #tpu.memory_space<semaphore_mem>>) src(%dma_wait3A_62 : memref<40x128xi32, #tpu.memory_space<hbm>>) dst(%arg8 : memref<40x128xi32, #tpu.memory_space<vmem>>)
      tpu.yield
    }) : () -> ()
    %dma_start3A_35 = arith.constant 0 : i32
    %dma_start3A_36 = arith.constant 0 : i32
    %dma_start3A_37 = tpu.memref_slice %arg7[%dma_start3A_35, %dma_start3A_36] : memref<40x128xi32, #tpu.memory_space<vmem>> -> memref<1x128xi32, #tpu.memory_space<vmem>>
    %dma_start3A_38 = tpu.memref_squeeze %dma_start3A_37 : memref<1x128xi32, #tpu.memory_space<vmem>> -> memref<128xi32, #tpu.memory_space<vmem>>
    %dma_start3A_39 = arith.constant 0 : i32
    %dma_start3A_40 = arith.constant 0 : i32
    %dma_start3A_41 = tpu.memref_slice %arg2[%dma_start3A_39, %dma_start3A_40] : memref<10112x128xf32, #tpu.memory_space<hbm>> -> memref<10112x128xf32, #tpu.memory_space<hbm>>
    tpu.enqueue_indirect_dma source(%dma_start3A_41 : memref<10112x128xf32, #tpu.memory_space<hbm>>) target(%arg9 : memref<128x128xf32, #tpu.memory_space<vmem>>) offsets(%dma_start3A_38 : memref<128xi32, #tpu.memory_space<vmem>>) semaphore(%arg12 : memref<!tpu.dma_semaphore, #tpu.memory_space<semaphore_mem>>)
    %dma_start3A_42 = arith.constant 1 : i32
    %dma_start3A_43 = arith.constant 0 : i32
    %dma_start3A_44 = tpu.memref_slice %arg7[%dma_start3A_42, %dma_start3A_43] : memref<40x128xi32, #tpu.memory_space<vmem>> -> memref<1x128xi32, #tpu.memory_space<vmem>>
    %dma_start3A_45 = tpu.memref_squeeze %dma_start3A_44 : memref<1x128xi32, #tpu.memory_space<vmem>> -> memref<128xi32, #tpu.memory_space<vmem>>
    %dma_start3A_46 = arith.constant 0 : i32
    %dma_start3A_47 = arith.constant 0 : i32
    %dma_start3A_48 = tpu.memref_slice %arg2[%dma_start3A_46, %dma_start3A_47] : memref<10112x128xf32, #tpu.memory_space<hbm>> -> memref<10112x128xf32, #tpu.memory_space<hbm>>
    tpu.enqueue_indirect_dma source(%dma_start3A_48 : memref<10112x128xf32, #tpu.memory_space<hbm>>) target(%arg10 : memref<128x128xf32, #tpu.memory_space<vmem>>) offsets(%dma_start3A_45 : memref<128xi32, #tpu.memory_space<vmem>>) semaphore(%arg13 : memref<!tpu.dma_semaphore, #tpu.memory_space<semaphore_mem>>)
    %scan3A_49 = arith.constant 0 : i32
    %scan3A_50 = arith.constant 0 : i32
    %scan3A_51 = arith.constant 20 : i32
    %scan3A_52 = arith.addi %scan3A_50, %scan3A_51 : i32
    %scan3A_53 = arith.constant 1 : i32
    scf.for %scan3A_56 = %scan3A_50 to %scan3A_52 step %scan3A_53  : i32 {
      %mul3A_57 = arith.constant 2 : i32
      %mul3A_58 = arith.muli %mul3A_57, %scan3A_56 : i32
      %mul3A_59 = arith.constant 2 : i32
      %mul3A_60 = arith.muli %mul3A_59, %scan3A_56 : i32
      %add3A_61 = arith.constant 1 : i32
      %add3A_62 = arith.addi %mul3A_60, %add3A_61 : i32
      %dma_wait3A = arith.constant 0 : i32
      %dma_wait3A_63 = tpu.memref_slice %arg7[%mul3A_58, %dma_wait3A] : memref<40x128xi32, #tpu.memory_space<vmem>> -> memref<1x128xi32, #tpu.memory_space<vmem>>
      %dma_wait3A_64 = tpu.memref_squeeze %dma_wait3A_63 : memref<1x128xi32, #tpu.memory_space<vmem>> -> memref<128xi32, #tpu.memory_space<vmem>>
      %dma_wait3A_65 = arith.constant 0 : i32
      %dma_wait3A_66 = arith.constant 0 : i32
      %dma_wait3A_67 = tpu.memref_slice %arg2[%dma_wait3A_65, %dma_wait3A_66] : memref<10112x128xf32, #tpu.memory_space<hbm>> -> memref<10112x128xf32, #tpu.memory_space<hbm>>
      tpu.wait_indirect_dma semaphore(%arg12 : memref<!tpu.dma_semaphore, #tpu.memory_space<semaphore_mem>>) src(%dma_wait3A_67 : memref<10112x128xf32, #tpu.memory_space<hbm>>) dst(%arg9 : memref<128x128xf32, #tpu.memory_space<vmem>>)
      "tpu.region"() ({
        %run_scoped3A = tpu.sem_alloc : memref<!tpu.dma_semaphore, #tpu.memory_space<semaphore_mem>>
        %dma_start3A_87 = arith.constant 0 : i32
        %dma_start3A_88 = tpu.memref_slice %arg8[%mul3A_58, %dma_start3A_87] : memref<40x128xi32, #tpu.memory_space<vmem>> -> memref<1x128xi32, #tpu.memory_space<vmem>>
        %dma_start3A_89 = tpu.memref_squeeze %dma_start3A_88 : memref<1x128xi32, #tpu.memory_space<vmem>> -> memref<128xi32, #tpu.memory_space<vmem>>
        %dma_start3A_90 = arith.constant 0 : i32
        %dma_start3A_91 = arith.constant 0 : i32
        %dma_start3A_92 = tpu.memref_slice %arg11[%dma_start3A_90, %dma_start3A_91] : memref<10112x128xf32, #tpu.memory_space<vmem_shared>> -> memref<10112x128xf32, #tpu.memory_space<vmem_shared>>
        tpu.enqueue_indirect_dma source(%arg9 : memref<128x128xf32, #tpu.memory_space<vmem>>) target(%dma_start3A_92 : memref<10112x128xf32, #tpu.memory_space<vmem_shared>>) offsets(%dma_start3A_89 : memref<128xi32, #tpu.memory_space<vmem>>) semaphore(%run_scoped3A : memref<!tpu.dma_semaphore, #tpu.memory_space<semaphore_mem>>) {add = true}
        %dma_wait3A_93 = arith.constant 0 : i32
        %dma_wait3A_94 = tpu.memref_slice %arg8[%mul3A_58, %dma_wait3A_93] : memref<40x128xi32, #tpu.memory_space<vmem>> -> memref<1x128xi32, #tpu.memory_space<vmem>>
        %dma_wait3A_95 = tpu.memref_squeeze %dma_wait3A_94 : memref<1x128xi32, #tpu.memory_space<vmem>> -> memref<128xi32, #tpu.memory_space<vmem>>
        %dma_wait3A_96 = arith.constant 0 : i32
        %dma_wait3A_97 = arith.constant 0 : i32
        %dma_wait3A_98 = tpu.memref_slice %arg11[%dma_wait3A_96, %dma_wait3A_97] : memref<10112x128xf32, #tpu.memory_space<vmem_shared>> -> memref<10112x128xf32, #tpu.memory_space<vmem_shared>>
        tpu.wait_indirect_dma semaphore(%run_scoped3A : memref<!tpu.dma_semaphore, #tpu.memory_space<semaphore_mem>>) src(%arg9 : memref<128x128xf32, #tpu.memory_space<vmem>>) dst(%dma_wait3A_98 : memref<10112x128xf32, #tpu.memory_space<vmem_shared>>)
        tpu.yield
      }) : () -> ()
      %add3A_68 = arith.constant 2 : i32
      %add3A_69 = arith.addi %mul3A_58, %add3A_68 : i32
      %lt3A = arith.constant 40 : i32
      %lt3A_70 = arith.cmpi slt, %add3A_69, %lt3A : i32
      %convert_element_type3A_71 = arith.extui %lt3A_70 : i1 to i32
      %cond3A_72 = arith.constant 0 : i32
      %cond3A_73 = arith.cmpi ne, %convert_element_type3A_71, %cond3A_72 : i32
      scf.if %cond3A_73 {
        %add3A_87 = arith.constant 2 : i32
        %add3A_88 = arith.addi %mul3A_58, %add3A_87 : i32
        %dma_start3A_89 = arith.constant 0 : i32
        %dma_start3A_90 = tpu.memref_slice %arg7[%add3A_88, %dma_start3A_89] : memref<40x128xi32, #tpu.memory_space<vmem>> -> memref<1x128xi32, #tpu.memory_space<vmem>>
        %dma_start3A_91 = tpu.memref_squeeze %dma_start3A_90 : memref<1x128xi32, #tpu.memory_space<vmem>> -> memref<128xi32, #tpu.memory_space<vmem>>
        %dma_start3A_92 = arith.constant 0 : i32
        %dma_start3A_93 = arith.constant 0 : i32
        %dma_start3A_94 = tpu.memref_slice %arg2[%dma_start3A_92, %dma_start3A_93] : memref<10112x128xf32, #tpu.memory_space<hbm>> -> memref<10112x128xf32, #tpu.memory_space<hbm>>
        tpu.enqueue_indirect_dma source(%dma_start3A_94 : memref<10112x128xf32, #tpu.memory_space<hbm>>) target(%arg9 : memref<128x128xf32, #tpu.memory_space<vmem>>) offsets(%dma_start3A_91 : memref<128xi32, #tpu.memory_space<vmem>>) semaphore(%arg12 : memref<!tpu.dma_semaphore, #tpu.memory_space<semaphore_mem>>)
      } else {
      }
      %dma_wait3A_74 = arith.constant 0 : i32
      %dma_wait3A_75 = tpu.memref_slice %arg7[%add3A_62, %dma_wait3A_74] : memref<40x128xi32, #tpu.memory_space<vmem>> -> memref<1x128xi32, #tpu.memory_space<vmem>>
      %dma_wait3A_76 = tpu.memref_squeeze %dma_wait3A_75 : memref<1x128xi32, #tpu.memory_space<vmem>> -> memref<128xi32, #tpu.memory_space<vmem>>
      %dma_wait3A_77 = arith.constant 0 : i32
      %dma_wait3A_78 = arith.constant 0 : i32
      %dma_wait3A_79 = tpu.memref_slice %arg2[%dma_wait3A_77, %dma_wait3A_78] : memref<10112x128xf32, #tpu.memory_space<hbm>> -> memref<10112x128xf32, #tpu.memory_space<hbm>>
      tpu.wait_indirect_dma semaphore(%arg13 : memref<!tpu.dma_semaphore, #tpu.memory_space<semaphore_mem>>) src(%dma_wait3A_79 : memref<10112x128xf32, #tpu.memory_space<hbm>>) dst(%arg10 : memref<128x128xf32, #tpu.memory_space<vmem>>)
      "tpu.region"() ({
        %run_scoped3A = tpu.sem_alloc : memref<!tpu.dma_semaphore, #tpu.memory_space<semaphore_mem>>
        %dma_start3A_87 = arith.constant 0 : i32
        %dma_start3A_88 = tpu.memref_slice %arg8[%add3A_62, %dma_start3A_87] : memref<40x128xi32, #tpu.memory_space<vmem>> -> memref<1x128xi32, #tpu.memory_space<vmem>>
        %dma_start3A_89 = tpu.memref_squeeze %dma_start3A_88 : memref<1x128xi32, #tpu.memory_space<vmem>> -> memref<128xi32, #tpu.memory_space<vmem>>
        %dma_start3A_90 = arith.constant 0 : i32
        %dma_start3A_91 = arith.constant 0 : i32
        %dma_start3A_92 = tpu.memref_slice %arg11[%dma_start3A_90, %dma_start3A_91] : memref<10112x128xf32, #tpu.memory_space<vmem_shared>> -> memref<10112x128xf32, #tpu.memory_space<vmem_shared>>
        tpu.enqueue_indirect_dma source(%arg10 : memref<128x128xf32, #tpu.memory_space<vmem>>) target(%dma_start3A_92 : memref<10112x128xf32, #tpu.memory_space<vmem_shared>>) offsets(%dma_start3A_89 : memref<128xi32, #tpu.memory_space<vmem>>) semaphore(%run_scoped3A : memref<!tpu.dma_semaphore, #tpu.memory_space<semaphore_mem>>) {add = true}
        %dma_wait3A_93 = arith.constant 0 : i32
        %dma_wait3A_94 = tpu.memref_slice %arg8[%add3A_62, %dma_wait3A_93] : memref<40x128xi32, #tpu.memory_space<vmem>> -> memref<1x128xi32, #tpu.memory_space<vmem>>
        %dma_wait3A_95 = tpu.memref_squeeze %dma_wait3A_94 : memref<1x128xi32, #tpu.memory_space<vmem>> -> memref<128xi32, #tpu.memory_space<vmem>>
        %dma_wait3A_96 = arith.constant 0 : i32
        %dma_wait3A_97 = arith.constant 0 : i32
        %dma_wait3A_98 = tpu.memref_slice %arg11[%dma_wait3A_96, %dma_wait3A_97] : memref<10112x128xf32, #tpu.memory_space<vmem_shared>> -> memref<10112x128xf32, #tpu.memory_space<vmem_shared>>
        tpu.wait_indirect_dma semaphore(%run_scoped3A : memref<!tpu.dma_semaphore, #tpu.memory_space<semaphore_mem>>) src(%arg10 : memref<128x128xf32, #tpu.memory_space<vmem>>) dst(%dma_wait3A_98 : memref<10112x128xf32, #tpu.memory_space<vmem_shared>>)
        tpu.yield
      }) : () -> ()
      %add3A_80 = arith.constant 2 : i32
      %add3A_81 = arith.addi %add3A_62, %add3A_80 : i32
      %lt3A_82 = arith.constant 40 : i32
      %lt3A_83 = arith.cmpi slt, %add3A_81, %lt3A_82 : i32
      %convert_element_type3A_84 = arith.extui %lt3A_83 : i1 to i32
      %cond3A_85 = arith.constant 0 : i32
      %cond3A_86 = arith.cmpi ne, %convert_element_type3A_84, %cond3A_85 : i32
      scf.if %cond3A_86 {
        %add3A_87 = arith.constant 2 : i32
        %add3A_88 = arith.addi %add3A_62, %add3A_87 : i32
        %dma_start3A_89 = arith.constant 0 : i32
        %dma_start3A_90 = tpu.memref_slice %arg7[%add3A_88, %dma_start3A_89] : memref<40x128xi32, #tpu.memory_space<vmem>> -> memref<1x128xi32, #tpu.memory_space<vmem>>
        %dma_start3A_91 = tpu.memref_squeeze %dma_start3A_90 : memref<1x128xi32, #tpu.memory_space<vmem>> -> memref<128xi32, #tpu.memory_space<vmem>>
        %dma_start3A_92 = arith.constant 0 : i32
        %dma_start3A_93 = arith.constant 0 : i32
        %dma_start3A_94 = tpu.memref_slice %arg2[%dma_start3A_92, %dma_start3A_93] : memref<10112x128xf32, #tpu.memory_space<hbm>> -> memref<10112x128xf32, #tpu.memory_space<hbm>>
        tpu.enqueue_indirect_dma source(%dma_start3A_94 : memref<10112x128xf32, #tpu.memory_space<hbm>>) target(%arg10 : memref<128x128xf32, #tpu.memory_space<vmem>>) offsets(%dma_start3A_91 : memref<128xi32, #tpu.memory_space<vmem>>) semaphore(%arg13 : memref<!tpu.dma_semaphore, #tpu.memory_space<semaphore_mem>>)
      } else {
      }
    }
    %scan3A_54 = arith.constant 20 : i32
    %barrier3A_55 = arith.constant 0 : index
    tpu.barrier barrier_id(%barrier3A_55)
    "tpu.region"() ({
      %run_scoped3A = tpu.sem_alloc : memref<!tpu.dma_semaphore, #tpu.memory_space<semaphore_mem>>
      %dma_start3A_56 = arith.constant 0 : i32
      %dma_start3A_57 = tpu.memref_slice %arg6[%arg0, %mul3A_0, %dma_start3A_56] : memref<2x10112x128xf32, #tpu.memory_space<hbm>> -> memref<1x632x128xf32, #tpu.memory_space<hbm>>
      %dma_start3A_58 = tpu.memref_squeeze %dma_start3A_57 : memref<1x632x128xf32, #tpu.memory_space<hbm>> -> memref<632x128xf32, #tpu.memory_space<hbm>>
      %dma_start3A_59 = arith.constant 0 : i32
      %dma_start3A_60 = tpu.memref_slice %arg11[%mul3A_0, %dma_start3A_59] : memref<10112x128xf32, #tpu.memory_space<vmem_shared>> -> memref<632x128xf32, #tpu.memory_space<vmem_shared>>
      tpu.enqueue_dma source(%dma_start3A_60 : memref<632x128xf32, #tpu.memory_space<vmem_shared>>) target(%dma_start3A_58 : memref<632x128xf32, #tpu.memory_space<hbm>>) target_semaphore(%run_scoped3A : memref<!tpu.dma_semaphore, #tpu.memory_space<semaphore_mem>>)
      %dma_wait3A = arith.constant 0 : i32
      %dma_wait3A_61 = tpu.memref_slice %arg6[%arg0, %mul3A_0, %dma_wait3A] : memref<2x10112x128xf32, #tpu.memory_space<hbm>> -> memref<1x632x128xf32, #tpu.memory_space<hbm>>
      %dma_wait3A_62 = tpu.memref_squeeze %dma_wait3A_61 : memref<1x632x128xf32, #tpu.memory_space<hbm>> -> memref<632x128xf32, #tpu.memory_space<hbm>>
      %dma_wait3A_63 = arith.constant 0 : i32
      %dma_wait3A_64 = tpu.memref_slice %arg11[%mul3A_0, %dma_wait3A_63] : memref<10112x128xf32, #tpu.memory_space<vmem_shared>> -> memref<632x128xf32, #tpu.memory_space<vmem_shared>>
      tpu.wait_dma2 semaphore(%run_scoped3A : memref<!tpu.dma_semaphore, #tpu.memory_space<semaphore_mem>>) src(%dma_wait3A_64 : memref<632x128xf32, #tpu.memory_space<vmem_shared>>) dst(%dma_wait3A_62 : memref<632x128xf32, #tpu.memory_space<hbm>>)
      tpu.yield
    }) : () -> ()
    return
  }
}

#map = affine_map<(d0, d1) -> (0, 0)>
#map1 = affine_map<(d0, d1) -> (0, 0, 0)>
module attributes {stable_mosaic.version = 14 : i64} {
  func.func @_sc_agg_body(%arg0: i32, %arg1: i32, %arg2: memref<10112x128xf32, #tpu.memory_space<hbm>>, %arg3: memref<2560x128xi32, #tpu.memory_space<hbm>>, %arg4: memref<2560x128xi32, #tpu.memory_space<hbm>>, %arg5: memref<632x128xf32, #tpu.memory_space<hbm>>, %arg6: memref<2x10112x128xf32, #tpu.memory_space<hbm>>, %arg7: memref<40x128xi32, #tpu.memory_space<vmem>>, %arg8: memref<40x128xi32, #tpu.memory_space<vmem>>, %arg9: memref<128x128xf32, #tpu.memory_space<vmem>>, %arg10: memref<128x128xf32, #tpu.memory_space<vmem>>, %arg11: memref<10112x128xf32, #tpu.memory_space<vmem_shared>>, %arg12: memref<!tpu.dma_semaphore, #tpu.memory_space<semaphore_mem>>, %arg13: memref<!tpu.dma_semaphore, #tpu.memory_space<semaphore_mem>>) attributes {dimension_semantics = [#tpu.dimension_semantics<core_parallel>, #tpu.dimension_semantics<subcore_parallel>], iteration_bounds = array<i64: 2, 16>, scalar_prefetch = 0 : i64, scratch_operands = 7 : i64, tpu.core_type = #tpu.core_type<sc_vector_subcore>, window_params = [{transform_indices = #map}, {transform_indices = #map}, {transform_indices = #map}, {transform_indices = #map}, {transform_indices = #map1}]} {
    %mul3A = arith.constant 632 : i32
    %mul3A_0 = arith.muli %arg1, %mul3A : i32
    %eq3A = arith.constant 0 : i32
    %eq3A_1 = arith.cmpi eq, %arg0, %eq3A : i32
    %convert_element_type3A = arith.extui %eq3A_1 : i1 to i32
    %cond3A = arith.constant 0 : i32
    %cond3A_2 = arith.cmpi ne, %convert_element_type3A, %cond3A : i32
    scf.if %cond3A_2 {
      "tpu.region"() ({
        %run_scoped3A = tpu.sem_alloc : memref<!tpu.dma_semaphore, #tpu.memory_space<semaphore_mem>>
        %dma_start3A_56 = arith.constant 0 : i32
        %dma_start3A_57 = tpu.memref_slice %arg11[%mul3A_0, %dma_start3A_56] : memref<10112x128xf32, #tpu.memory_space<vmem_shared>> -> memref<632x128xf32, #tpu.memory_space<vmem_shared>>
        %dma_start3A_58 = arith.constant 0 : i32
        %dma_start3A_59 = tpu.memref_slice %arg2[%mul3A_0, %dma_start3A_58] : memref<10112x128xf32, #tpu.memory_space<hbm>> -> memref<632x128xf32, #tpu.memory_space<hbm>>
        tpu.enqueue_dma source(%dma_start3A_59 : memref<632x128xf32, #tpu.memory_space<hbm>>) target(%dma_start3A_57 : memref<632x128xf32, #tpu.memory_space<vmem_shared>>) target_semaphore(%run_scoped3A : memref<!tpu.dma_semaphore, #tpu.memory_space<semaphore_mem>>)
        %dma_wait3A = arith.constant 0 : i32
        %dma_wait3A_60 = tpu.memref_slice %arg11[%mul3A_0, %dma_wait3A] : memref<10112x128xf32, #tpu.memory_space<vmem_shared>> -> memref<632x128xf32, #tpu.memory_space<vmem_shared>>
        %dma_wait3A_61 = arith.constant 0 : i32
        %dma_wait3A_62 = tpu.memref_slice %arg2[%mul3A_0, %dma_wait3A_61] : memref<10112x128xf32, #tpu.memory_space<hbm>> -> memref<632x128xf32, #tpu.memory_space<hbm>>
        tpu.wait_dma2 semaphore(%run_scoped3A : memref<!tpu.dma_semaphore, #tpu.memory_space<semaphore_mem>>) src(%dma_wait3A_62 : memref<632x128xf32, #tpu.memory_space<hbm>>) dst(%dma_wait3A_60 : memref<632x128xf32, #tpu.memory_space<vmem_shared>>)
        tpu.yield
      }) : () -> ()
    } else {
    }
    %ne3A = arith.constant 0 : i32
    %ne3A_3 = arith.cmpi ne, %arg0, %ne3A : i32
    %convert_element_type3A_4 = arith.extui %ne3A_3 : i1 to i32
    %cond3A_5 = arith.constant 0 : i32
    %cond3A_6 = arith.cmpi ne, %convert_element_type3A_4, %cond3A_5 : i32
    scf.if %cond3A_6 {
      "tpu.region"() ({
        %run_scoped3A = tpu.sem_alloc : memref<!tpu.dma_semaphore, #tpu.memory_space<semaphore_mem>>
        %dma_start3A_56 = arith.constant 0 : i32
        %dma_start3A_57 = tpu.memref_slice %arg11[%mul3A_0, %dma_start3A_56] : memref<10112x128xf32, #tpu.memory_space<vmem_shared>> -> memref<632x128xf32, #tpu.memory_space<vmem_shared>>
        tpu.enqueue_dma source(%arg5 : memref<632x128xf32, #tpu.memory_space<hbm>>) target(%dma_start3A_57 : memref<632x128xf32, #tpu.memory_space<vmem_shared>>) target_semaphore(%run_scoped3A : memref<!tpu.dma_semaphore, #tpu.memory_space<semaphore_mem>>)
        %dma_wait3A = arith.constant 0 : i32
        %dma_wait3A_58 = tpu.memref_slice %arg11[%mul3A_0, %dma_wait3A] : memref<10112x128xf32, #tpu.memory_space<vmem_shared>> -> memref<632x128xf32, #tpu.memory_space<vmem_shared>>
        tpu.wait_dma2 semaphore(%run_scoped3A : memref<!tpu.dma_semaphore, #tpu.memory_space<semaphore_mem>>) src(%arg5 : memref<632x128xf32, #tpu.memory_space<hbm>>) dst(%dma_wait3A_58 : memref<632x128xf32, #tpu.memory_space<vmem_shared>>)
        tpu.yield
      }) : () -> ()
    } else {
    }
    %barrier3A = arith.constant 0 : index
    tpu.barrier barrier_id(%barrier3A)
    %mul3A_7 = arith.constant 16 : i32
    %mul3A_8 = arith.muli %arg0, %mul3A_7 : i32
    %add3A = arith.addi %mul3A_8, %arg1 : i32
    %mul3A_9 = arith.constant 80 : i32
    %mul3A_10 = arith.muli %add3A, %mul3A_9 : i32
    %add3A_11 = arith.constant 0 : i32
    %add3A_12 = arith.addi %mul3A_10, %add3A_11 : i32
    "tpu.region"() ({
      %run_scoped3A = tpu.sem_alloc : memref<!tpu.dma_semaphore, #tpu.memory_space<semaphore_mem>>
      %dma_start3A_56 = arith.constant 0 : i32
      %dma_start3A_57 = tpu.memref_slice %arg3[%add3A_12, %dma_start3A_56] : memref<2560x128xi32, #tpu.memory_space<hbm>> -> memref<40x128xi32, #tpu.memory_space<hbm>>
      %dma_start3A_58 = arith.constant 0 : i32
      %dma_start3A_59 = tpu.memref_slice %arg3[%add3A_12, %dma_start3A_58] : memref<2560x128xi32, #tpu.memory_space<hbm>> -> memref<40x128xi32, #tpu.memory_space<hbm>>
      tpu.enqueue_dma source(%dma_start3A_59 : memref<40x128xi32, #tpu.memory_space<hbm>>) target(%arg7 : memref<40x128xi32, #tpu.memory_space<vmem>>) target_semaphore(%run_scoped3A : memref<!tpu.dma_semaphore, #tpu.memory_space<semaphore_mem>>)
      %dma_wait3A = arith.constant 0 : i32
      %dma_wait3A_60 = tpu.memref_slice %arg3[%add3A_12, %dma_wait3A] : memref<2560x128xi32, #tpu.memory_space<hbm>> -> memref<40x128xi32, #tpu.memory_space<hbm>>
      %dma_wait3A_61 = arith.constant 0 : i32
      %dma_wait3A_62 = tpu.memref_slice %arg3[%add3A_12, %dma_wait3A_61] : memref<2560x128xi32, #tpu.memory_space<hbm>> -> memref<40x128xi32, #tpu.memory_space<hbm>>
      tpu.wait_dma2 semaphore(%run_scoped3A : memref<!tpu.dma_semaphore, #tpu.memory_space<semaphore_mem>>) src(%dma_wait3A_62 : memref<40x128xi32, #tpu.memory_space<hbm>>) dst(%arg7 : memref<40x128xi32, #tpu.memory_space<vmem>>)
      tpu.yield
    }) : () -> ()
    "tpu.region"() ({
      %run_scoped3A = tpu.sem_alloc : memref<!tpu.dma_semaphore, #tpu.memory_space<semaphore_mem>>
      %dma_start3A_56 = arith.constant 0 : i32
      %dma_start3A_57 = tpu.memref_slice %arg4[%add3A_12, %dma_start3A_56] : memref<2560x128xi32, #tpu.memory_space<hbm>> -> memref<40x128xi32, #tpu.memory_space<hbm>>
      %dma_start3A_58 = arith.constant 0 : i32
      %dma_start3A_59 = tpu.memref_slice %arg4[%add3A_12, %dma_start3A_58] : memref<2560x128xi32, #tpu.memory_space<hbm>> -> memref<40x128xi32, #tpu.memory_space<hbm>>
      tpu.enqueue_dma source(%dma_start3A_59 : memref<40x128xi32, #tpu.memory_space<hbm>>) target(%arg8 : memref<40x128xi32, #tpu.memory_space<vmem>>) target_semaphore(%run_scoped3A : memref<!tpu.dma_semaphore, #tpu.memory_space<semaphore_mem>>)
      %dma_wait3A = arith.constant 0 : i32
      %dma_wait3A_60 = tpu.memref_slice %arg4[%add3A_12, %dma_wait3A] : memref<2560x128xi32, #tpu.memory_space<hbm>> -> memref<40x128xi32, #tpu.memory_space<hbm>>
      %dma_wait3A_61 = arith.constant 0 : i32
      %dma_wait3A_62 = tpu.memref_slice %arg4[%add3A_12, %dma_wait3A_61] : memref<2560x128xi32, #tpu.memory_space<hbm>> -> memref<40x128xi32, #tpu.memory_space<hbm>>
      tpu.wait_dma2 semaphore(%run_scoped3A : memref<!tpu.dma_semaphore, #tpu.memory_space<semaphore_mem>>) src(%dma_wait3A_62 : memref<40x128xi32, #tpu.memory_space<hbm>>) dst(%arg8 : memref<40x128xi32, #tpu.memory_space<vmem>>)
      tpu.yield
    }) : () -> ()
    %dma_start3A = arith.constant 0 : i32
    %dma_start3A_13 = arith.constant 0 : i32
    %dma_start3A_14 = tpu.memref_slice %arg7[%dma_start3A, %dma_start3A_13] : memref<40x128xi32, #tpu.memory_space<vmem>> -> memref<1x128xi32, #tpu.memory_space<vmem>>
    %dma_start3A_15 = tpu.memref_squeeze %dma_start3A_14 : memref<1x128xi32, #tpu.memory_space<vmem>> -> memref<128xi32, #tpu.memory_space<vmem>>
    %dma_start3A_16 = arith.constant 0 : i32
    %dma_start3A_17 = arith.constant 0 : i32
    %dma_start3A_18 = tpu.memref_slice %arg2[%dma_start3A_16, %dma_start3A_17] : memref<10112x128xf32, #tpu.memory_space<hbm>> -> memref<10112x128xf32, #tpu.memory_space<hbm>>
    tpu.enqueue_indirect_dma source(%dma_start3A_18 : memref<10112x128xf32, #tpu.memory_space<hbm>>) target(%arg9 : memref<128x128xf32, #tpu.memory_space<vmem>>) offsets(%dma_start3A_15 : memref<128xi32, #tpu.memory_space<vmem>>) semaphore(%arg12 : memref<!tpu.dma_semaphore, #tpu.memory_space<semaphore_mem>>)
    %dma_start3A_19 = arith.constant 1 : i32
    %dma_start3A_20 = arith.constant 0 : i32
    %dma_start3A_21 = tpu.memref_slice %arg7[%dma_start3A_19, %dma_start3A_20] : memref<40x128xi32, #tpu.memory_space<vmem>> -> memref<1x128xi32, #tpu.memory_space<vmem>>
    %dma_start3A_22 = tpu.memref_squeeze %dma_start3A_21 : memref<1x128xi32, #tpu.memory_space<vmem>> -> memref<128xi32, #tpu.memory_space<vmem>>
    %dma_start3A_23 = arith.constant 0 : i32
    %dma_start3A_24 = arith.constant 0 : i32
    %dma_start3A_25 = tpu.memref_slice %arg2[%dma_start3A_23, %dma_start3A_24] : memref<10112x128xf32, #tpu.memory_space<hbm>> -> memref<10112x128xf32, #tpu.memory_space<hbm>>
    tpu.enqueue_indirect_dma source(%dma_start3A_25 : memref<10112x128xf32, #tpu.memory_space<hbm>>) target(%arg10 : memref<128x128xf32, #tpu.memory_space<vmem>>) offsets(%dma_start3A_22 : memref<128xi32, #tpu.memory_space<vmem>>) semaphore(%arg13 : memref<!tpu.dma_semaphore, #tpu.memory_space<semaphore_mem>>)
    %scan3A = arith.constant 0 : i32
    %scan3A_26 = arith.constant 0 : i32
    %scan3A_27 = arith.constant 20 : i32
    %scan3A_28 = arith.addi %scan3A_26, %scan3A_27 : i32
    %scan3A_29 = arith.constant 1 : i32
    scf.for %scan3A_56 = %scan3A_26 to %scan3A_28 step %scan3A_29  : i32 {
      %mul3A_57 = arith.constant 2 : i32
      %mul3A_58 = arith.muli %mul3A_57, %scan3A_56 : i32
      %mul3A_59 = arith.constant 2 : i32
      %mul3A_60 = arith.muli %mul3A_59, %scan3A_56 : i32
      %add3A_61 = arith.constant 1 : i32
      %add3A_62 = arith.addi %mul3A_60, %add3A_61 : i32
      %dma_wait3A = arith.constant 0 : i32
      %dma_wait3A_63 = tpu.memref_slice %arg7[%mul3A_58, %dma_wait3A] : memref<40x128xi32, #tpu.memory_space<vmem>> -> memref<1x128xi32, #tpu.memory_space<vmem>>
      %dma_wait3A_64 = tpu.memref_squeeze %dma_wait3A_63 : memref<1x128xi32, #tpu.memory_space<vmem>> -> memref<128xi32, #tpu.memory_space<vmem>>
      %dma_wait3A_65 = arith.constant 0 : i32
      %dma_wait3A_66 = arith.constant 0 : i32
      %dma_wait3A_67 = tpu.memref_slice %arg2[%dma_wait3A_65, %dma_wait3A_66] : memref<10112x128xf32, #tpu.memory_space<hbm>> -> memref<10112x128xf32, #tpu.memory_space<hbm>>
      tpu.wait_indirect_dma semaphore(%arg12 : memref<!tpu.dma_semaphore, #tpu.memory_space<semaphore_mem>>) src(%dma_wait3A_67 : memref<10112x128xf32, #tpu.memory_space<hbm>>) dst(%arg9 : memref<128x128xf32, #tpu.memory_space<vmem>>)
      "tpu.region"() ({
        %run_scoped3A = tpu.sem_alloc : memref<!tpu.dma_semaphore, #tpu.memory_space<semaphore_mem>>
        %dma_start3A_87 = arith.constant 0 : i32
        %dma_start3A_88 = tpu.memref_slice %arg8[%mul3A_58, %dma_start3A_87] : memref<40x128xi32, #tpu.memory_space<vmem>> -> memref<1x128xi32, #tpu.memory_space<vmem>>
        %dma_start3A_89 = tpu.memref_squeeze %dma_start3A_88 : memref<1x128xi32, #tpu.memory_space<vmem>> -> memref<128xi32, #tpu.memory_space<vmem>>
        %dma_start3A_90 = arith.constant 0 : i32
        %dma_start3A_91 = arith.constant 0 : i32
        %dma_start3A_92 = tpu.memref_slice %arg11[%dma_start3A_90, %dma_start3A_91] : memref<10112x128xf32, #tpu.memory_space<vmem_shared>> -> memref<10112x128xf32, #tpu.memory_space<vmem_shared>>
        tpu.enqueue_indirect_dma source(%arg9 : memref<128x128xf32, #tpu.memory_space<vmem>>) target(%dma_start3A_92 : memref<10112x128xf32, #tpu.memory_space<vmem_shared>>) offsets(%dma_start3A_89 : memref<128xi32, #tpu.memory_space<vmem>>) semaphore(%run_scoped3A : memref<!tpu.dma_semaphore, #tpu.memory_space<semaphore_mem>>) {add = true}
        %dma_wait3A_93 = arith.constant 0 : i32
        %dma_wait3A_94 = tpu.memref_slice %arg8[%mul3A_58, %dma_wait3A_93] : memref<40x128xi32, #tpu.memory_space<vmem>> -> memref<1x128xi32, #tpu.memory_space<vmem>>
        %dma_wait3A_95 = tpu.memref_squeeze %dma_wait3A_94 : memref<1x128xi32, #tpu.memory_space<vmem>> -> memref<128xi32, #tpu.memory_space<vmem>>
        %dma_wait3A_96 = arith.constant 0 : i32
        %dma_wait3A_97 = arith.constant 0 : i32
        %dma_wait3A_98 = tpu.memref_slice %arg11[%dma_wait3A_96, %dma_wait3A_97] : memref<10112x128xf32, #tpu.memory_space<vmem_shared>> -> memref<10112x128xf32, #tpu.memory_space<vmem_shared>>
        tpu.wait_indirect_dma semaphore(%run_scoped3A : memref<!tpu.dma_semaphore, #tpu.memory_space<semaphore_mem>>) src(%arg9 : memref<128x128xf32, #tpu.memory_space<vmem>>) dst(%dma_wait3A_98 : memref<10112x128xf32, #tpu.memory_space<vmem_shared>>)
        tpu.yield
      }) : () -> ()
      %add3A_68 = arith.constant 2 : i32
      %add3A_69 = arith.addi %mul3A_58, %add3A_68 : i32
      %lt3A = arith.constant 40 : i32
      %lt3A_70 = arith.cmpi slt, %add3A_69, %lt3A : i32
      %convert_element_type3A_71 = arith.extui %lt3A_70 : i1 to i32
      %cond3A_72 = arith.constant 0 : i32
      %cond3A_73 = arith.cmpi ne, %convert_element_type3A_71, %cond3A_72 : i32
      scf.if %cond3A_73 {
        %add3A_87 = arith.constant 2 : i32
        %add3A_88 = arith.addi %mul3A_58, %add3A_87 : i32
        %dma_start3A_89 = arith.constant 0 : i32
        %dma_start3A_90 = tpu.memref_slice %arg7[%add3A_88, %dma_start3A_89] : memref<40x128xi32, #tpu.memory_space<vmem>> -> memref<1x128xi32, #tpu.memory_space<vmem>>
        %dma_start3A_91 = tpu.memref_squeeze %dma_start3A_90 : memref<1x128xi32, #tpu.memory_space<vmem>> -> memref<128xi32, #tpu.memory_space<vmem>>
        %dma_start3A_92 = arith.constant 0 : i32
        %dma_start3A_93 = arith.constant 0 : i32
        %dma_start3A_94 = tpu.memref_slice %arg2[%dma_start3A_92, %dma_start3A_93] : memref<10112x128xf32, #tpu.memory_space<hbm>> -> memref<10112x128xf32, #tpu.memory_space<hbm>>
        tpu.enqueue_indirect_dma source(%dma_start3A_94 : memref<10112x128xf32, #tpu.memory_space<hbm>>) target(%arg9 : memref<128x128xf32, #tpu.memory_space<vmem>>) offsets(%dma_start3A_91 : memref<128xi32, #tpu.memory_space<vmem>>) semaphore(%arg12 : memref<!tpu.dma_semaphore, #tpu.memory_space<semaphore_mem>>)
      } else {
      }
      %dma_wait3A_74 = arith.constant 0 : i32
      %dma_wait3A_75 = tpu.memref_slice %arg7[%add3A_62, %dma_wait3A_74] : memref<40x128xi32, #tpu.memory_space<vmem>> -> memref<1x128xi32, #tpu.memory_space<vmem>>
      %dma_wait3A_76 = tpu.memref_squeeze %dma_wait3A_75 : memref<1x128xi32, #tpu.memory_space<vmem>> -> memref<128xi32, #tpu.memory_space<vmem>>
      %dma_wait3A_77 = arith.constant 0 : i32
      %dma_wait3A_78 = arith.constant 0 : i32
      %dma_wait3A_79 = tpu.memref_slice %arg2[%dma_wait3A_77, %dma_wait3A_78] : memref<10112x128xf32, #tpu.memory_space<hbm>> -> memref<10112x128xf32, #tpu.memory_space<hbm>>
      tpu.wait_indirect_dma semaphore(%arg13 : memref<!tpu.dma_semaphore, #tpu.memory_space<semaphore_mem>>) src(%dma_wait3A_79 : memref<10112x128xf32, #tpu.memory_space<hbm>>) dst(%arg10 : memref<128x128xf32, #tpu.memory_space<vmem>>)
      "tpu.region"() ({
        %run_scoped3A = tpu.sem_alloc : memref<!tpu.dma_semaphore, #tpu.memory_space<semaphore_mem>>
        %dma_start3A_87 = arith.constant 0 : i32
        %dma_start3A_88 = tpu.memref_slice %arg8[%add3A_62, %dma_start3A_87] : memref<40x128xi32, #tpu.memory_space<vmem>> -> memref<1x128xi32, #tpu.memory_space<vmem>>
        %dma_start3A_89 = tpu.memref_squeeze %dma_start3A_88 : memref<1x128xi32, #tpu.memory_space<vmem>> -> memref<128xi32, #tpu.memory_space<vmem>>
        %dma_start3A_90 = arith.constant 0 : i32
        %dma_start3A_91 = arith.constant 0 : i32
        %dma_start3A_92 = tpu.memref_slice %arg11[%dma_start3A_90, %dma_start3A_91] : memref<10112x128xf32, #tpu.memory_space<vmem_shared>> -> memref<10112x128xf32, #tpu.memory_space<vmem_shared>>
        tpu.enqueue_indirect_dma source(%arg10 : memref<128x128xf32, #tpu.memory_space<vmem>>) target(%dma_start3A_92 : memref<10112x128xf32, #tpu.memory_space<vmem_shared>>) offsets(%dma_start3A_89 : memref<128xi32, #tpu.memory_space<vmem>>) semaphore(%run_scoped3A : memref<!tpu.dma_semaphore, #tpu.memory_space<semaphore_mem>>) {add = true}
        %dma_wait3A_93 = arith.constant 0 : i32
        %dma_wait3A_94 = tpu.memref_slice %arg8[%add3A_62, %dma_wait3A_93] : memref<40x128xi32, #tpu.memory_space<vmem>> -> memref<1x128xi32, #tpu.memory_space<vmem>>
        %dma_wait3A_95 = tpu.memref_squeeze %dma_wait3A_94 : memref<1x128xi32, #tpu.memory_space<vmem>> -> memref<128xi32, #tpu.memory_space<vmem>>
        %dma_wait3A_96 = arith.constant 0 : i32
        %dma_wait3A_97 = arith.constant 0 : i32
        %dma_wait3A_98 = tpu.memref_slice %arg11[%dma_wait3A_96, %dma_wait3A_97] : memref<10112x128xf32, #tpu.memory_space<vmem_shared>> -> memref<10112x128xf32, #tpu.memory_space<vmem_shared>>
        tpu.wait_indirect_dma semaphore(%run_scoped3A : memref<!tpu.dma_semaphore, #tpu.memory_space<semaphore_mem>>) src(%arg10 : memref<128x128xf32, #tpu.memory_space<vmem>>) dst(%dma_wait3A_98 : memref<10112x128xf32, #tpu.memory_space<vmem_shared>>)
        tpu.yield
      }) : () -> ()
      %add3A_80 = arith.constant 2 : i32
      %add3A_81 = arith.addi %add3A_62, %add3A_80 : i32
      %lt3A_82 = arith.constant 40 : i32
      %lt3A_83 = arith.cmpi slt, %add3A_81, %lt3A_82 : i32
      %convert_element_type3A_84 = arith.extui %lt3A_83 : i1 to i32
      %cond3A_85 = arith.constant 0 : i32
      %cond3A_86 = arith.cmpi ne, %convert_element_type3A_84, %cond3A_85 : i32
      scf.if %cond3A_86 {
        %add3A_87 = arith.constant 2 : i32
        %add3A_88 = arith.addi %add3A_62, %add3A_87 : i32
        %dma_start3A_89 = arith.constant 0 : i32
        %dma_start3A_90 = tpu.memref_slice %arg7[%add3A_88, %dma_start3A_89] : memref<40x128xi32, #tpu.memory_space<vmem>> -> memref<1x128xi32, #tpu.memory_space<vmem>>
        %dma_start3A_91 = tpu.memref_squeeze %dma_start3A_90 : memref<1x128xi32, #tpu.memory_space<vmem>> -> memref<128xi32, #tpu.memory_space<vmem>>
        %dma_start3A_92 = arith.constant 0 : i32
        %dma_start3A_93 = arith.constant 0 : i32
        %dma_start3A_94 = tpu.memref_slice %arg2[%dma_start3A_92, %dma_start3A_93] : memref<10112x128xf32, #tpu.memory_space<hbm>> -> memref<10112x128xf32, #tpu.memory_space<hbm>>
        tpu.enqueue_indirect_dma source(%dma_start3A_94 : memref<10112x128xf32, #tpu.memory_space<hbm>>) target(%arg10 : memref<128x128xf32, #tpu.memory_space<vmem>>) offsets(%dma_start3A_91 : memref<128xi32, #tpu.memory_space<vmem>>) semaphore(%arg13 : memref<!tpu.dma_semaphore, #tpu.memory_space<semaphore_mem>>)
      } else {
      }
    }
    %scan3A_30 = arith.constant 20 : i32
    %mul3A_31 = arith.constant 80 : i32
    %mul3A_32 = arith.muli %add3A, %mul3A_31 : i32
    %add3A_33 = arith.constant 40 : i32
    %add3A_34 = arith.addi %mul3A_32, %add3A_33 : i32
    "tpu.region"() ({
      %run_scoped3A = tpu.sem_alloc : memref<!tpu.dma_semaphore, #tpu.memory_space<semaphore_mem>>
      %dma_start3A_56 = arith.constant 0 : i32
      %dma_start3A_57 = tpu.memref_slice %arg3[%add3A_34, %dma_start3A_56] : memref<2560x128xi32, #tpu.memory_space<hbm>> -> memref<40x128xi32, #tpu.memory_space<hbm>>
      %dma_start3A_58 = arith.constant 0 : i32
      %dma_start3A_59 = tpu.memref_slice %arg3[%add3A_34, %dma_start3A_58] : memref<2560x128xi32, #tpu.memory_space<hbm>> -> memref<40x128xi32, #tpu.memory_space<hbm>>
      tpu.enqueue_dma source(%dma_start3A_59 : memref<40x128xi32, #tpu.memory_space<hbm>>) target(%arg7 : memref<40x128xi32, #tpu.memory_space<vmem>>) target_semaphore(%run_scoped3A : memref<!tpu.dma_semaphore, #tpu.memory_space<semaphore_mem>>)
      %dma_wait3A = arith.constant 0 : i32
      %dma_wait3A_60 = tpu.memref_slice %arg3[%add3A_34, %dma_wait3A] : memref<2560x128xi32, #tpu.memory_space<hbm>> -> memref<40x128xi32, #tpu.memory_space<hbm>>
      %dma_wait3A_61 = arith.constant 0 : i32
      %dma_wait3A_62 = tpu.memref_slice %arg3[%add3A_34, %dma_wait3A_61] : memref<2560x128xi32, #tpu.memory_space<hbm>> -> memref<40x128xi32, #tpu.memory_space<hbm>>
      tpu.wait_dma2 semaphore(%run_scoped3A : memref<!tpu.dma_semaphore, #tpu.memory_space<semaphore_mem>>) src(%dma_wait3A_62 : memref<40x128xi32, #tpu.memory_space<hbm>>) dst(%arg7 : memref<40x128xi32, #tpu.memory_space<vmem>>)
      tpu.yield
    }) : () -> ()
    "tpu.region"() ({
      %run_scoped3A = tpu.sem_alloc : memref<!tpu.dma_semaphore, #tpu.memory_space<semaphore_mem>>
      %dma_start3A_56 = arith.constant 0 : i32
      %dma_start3A_57 = tpu.memref_slice %arg4[%add3A_34, %dma_start3A_56] : memref<2560x128xi32, #tpu.memory_space<hbm>> -> memref<40x128xi32, #tpu.memory_space<hbm>>
      %dma_start3A_58 = arith.constant 0 : i32
      %dma_start3A_59 = tpu.memref_slice %arg4[%add3A_34, %dma_start3A_58] : memref<2560x128xi32, #tpu.memory_space<hbm>> -> memref<40x128xi32, #tpu.memory_space<hbm>>
      tpu.enqueue_dma source(%dma_start3A_59 : memref<40x128xi32, #tpu.memory_space<hbm>>) target(%arg8 : memref<40x128xi32, #tpu.memory_space<vmem>>) target_semaphore(%run_scoped3A : memref<!tpu.dma_semaphore, #tpu.memory_space<semaphore_mem>>)
      %dma_wait3A = arith.constant 0 : i32
      %dma_wait3A_60 = tpu.memref_slice %arg4[%add3A_34, %dma_wait3A] : memref<2560x128xi32, #tpu.memory_space<hbm>> -> memref<40x128xi32, #tpu.memory_space<hbm>>
      %dma_wait3A_61 = arith.constant 0 : i32
      %dma_wait3A_62 = tpu.memref_slice %arg4[%add3A_34, %dma_wait3A_61] : memref<2560x128xi32, #tpu.memory_space<hbm>> -> memref<40x128xi32, #tpu.memory_space<hbm>>
      tpu.wait_dma2 semaphore(%run_scoped3A : memref<!tpu.dma_semaphore, #tpu.memory_space<semaphore_mem>>) src(%dma_wait3A_62 : memref<40x128xi32, #tpu.memory_space<hbm>>) dst(%arg8 : memref<40x128xi32, #tpu.memory_space<vmem>>)
      tpu.yield
    }) : () -> ()
    %dma_start3A_35 = arith.constant 0 : i32
    %dma_start3A_36 = arith.constant 0 : i32
    %dma_start3A_37 = tpu.memref_slice %arg7[%dma_start3A_35, %dma_start3A_36] : memref<40x128xi32, #tpu.memory_space<vmem>> -> memref<1x128xi32, #tpu.memory_space<vmem>>
    %dma_start3A_38 = tpu.memref_squeeze %dma_start3A_37 : memref<1x128xi32, #tpu.memory_space<vmem>> -> memref<128xi32, #tpu.memory_space<vmem>>
    %dma_start3A_39 = arith.constant 0 : i32
    %dma_start3A_40 = arith.constant 0 : i32
    %dma_start3A_41 = tpu.memref_slice %arg2[%dma_start3A_39, %dma_start3A_40] : memref<10112x128xf32, #tpu.memory_space<hbm>> -> memref<10112x128xf32, #tpu.memory_space<hbm>>
    tpu.enqueue_indirect_dma source(%dma_start3A_41 : memref<10112x128xf32, #tpu.memory_space<hbm>>) target(%arg9 : memref<128x128xf32, #tpu.memory_space<vmem>>) offsets(%dma_start3A_38 : memref<128xi32, #tpu.memory_space<vmem>>) semaphore(%arg12 : memref<!tpu.dma_semaphore, #tpu.memory_space<semaphore_mem>>)
    %dma_start3A_42 = arith.constant 1 : i32
    %dma_start3A_43 = arith.constant 0 : i32
    %dma_start3A_44 = tpu.memref_slice %arg7[%dma_start3A_42, %dma_start3A_43] : memref<40x128xi32, #tpu.memory_space<vmem>> -> memref<1x128xi32, #tpu.memory_space<vmem>>
    %dma_start3A_45 = tpu.memref_squeeze %dma_start3A_44 : memref<1x128xi32, #tpu.memory_space<vmem>> -> memref<128xi32, #tpu.memory_space<vmem>>
    %dma_start3A_46 = arith.constant 0 : i32
    %dma_start3A_47 = arith.constant 0 : i32
    %dma_start3A_48 = tpu.memref_slice %arg2[%dma_start3A_46, %dma_start3A_47] : memref<10112x128xf32, #tpu.memory_space<hbm>> -> memref<10112x128xf32, #tpu.memory_space<hbm>>
    tpu.enqueue_indirect_dma source(%dma_start3A_48 : memref<10112x128xf32, #tpu.memory_space<hbm>>) target(%arg10 : memref<128x128xf32, #tpu.memory_space<vmem>>) offsets(%dma_start3A_45 : memref<128xi32, #tpu.memory_space<vmem>>) semaphore(%arg13 : memref<!tpu.dma_semaphore, #tpu.memory_space<semaphore_mem>>)
    %scan3A_49 = arith.constant 0 : i32
    %scan3A_50 = arith.constant 0 : i32
    %scan3A_51 = arith.constant 20 : i32
    %scan3A_52 = arith.addi %scan3A_50, %scan3A_51 : i32
    %scan3A_53 = arith.constant 1 : i32
    scf.for %scan3A_56 = %scan3A_50 to %scan3A_52 step %scan3A_53  : i32 {
      %mul3A_57 = arith.constant 2 : i32
      %mul3A_58 = arith.muli %mul3A_57, %scan3A_56 : i32
      %mul3A_59 = arith.constant 2 : i32
      %mul3A_60 = arith.muli %mul3A_59, %scan3A_56 : i32
      %add3A_61 = arith.constant 1 : i32
      %add3A_62 = arith.addi %mul3A_60, %add3A_61 : i32
      %dma_wait3A = arith.constant 0 : i32
      %dma_wait3A_63 = tpu.memref_slice %arg7[%mul3A_58, %dma_wait3A] : memref<40x128xi32, #tpu.memory_space<vmem>> -> memref<1x128xi32, #tpu.memory_space<vmem>>
      %dma_wait3A_64 = tpu.memref_squeeze %dma_wait3A_63 : memref<1x128xi32, #tpu.memory_space<vmem>> -> memref<128xi32, #tpu.memory_space<vmem>>
      %dma_wait3A_65 = arith.constant 0 : i32
      %dma_wait3A_66 = arith.constant 0 : i32
      %dma_wait3A_67 = tpu.memref_slice %arg2[%dma_wait3A_65, %dma_wait3A_66] : memref<10112x128xf32, #tpu.memory_space<hbm>> -> memref<10112x128xf32, #tpu.memory_space<hbm>>
      tpu.wait_indirect_dma semaphore(%arg12 : memref<!tpu.dma_semaphore, #tpu.memory_space<semaphore_mem>>) src(%dma_wait3A_67 : memref<10112x128xf32, #tpu.memory_space<hbm>>) dst(%arg9 : memref<128x128xf32, #tpu.memory_space<vmem>>)
      "tpu.region"() ({
        %run_scoped3A = tpu.sem_alloc : memref<!tpu.dma_semaphore, #tpu.memory_space<semaphore_mem>>
        %dma_start3A_87 = arith.constant 0 : i32
        %dma_start3A_88 = tpu.memref_slice %arg8[%mul3A_58, %dma_start3A_87] : memref<40x128xi32, #tpu.memory_space<vmem>> -> memref<1x128xi32, #tpu.memory_space<vmem>>
        %dma_start3A_89 = tpu.memref_squeeze %dma_start3A_88 : memref<1x128xi32, #tpu.memory_space<vmem>> -> memref<128xi32, #tpu.memory_space<vmem>>
        %dma_start3A_90 = arith.constant 0 : i32
        %dma_start3A_91 = arith.constant 0 : i32
        %dma_start3A_92 = tpu.memref_slice %arg11[%dma_start3A_90, %dma_start3A_91] : memref<10112x128xf32, #tpu.memory_space<vmem_shared>> -> memref<10112x128xf32, #tpu.memory_space<vmem_shared>>
        tpu.enqueue_indirect_dma source(%arg9 : memref<128x128xf32, #tpu.memory_space<vmem>>) target(%dma_start3A_92 : memref<10112x128xf32, #tpu.memory_space<vmem_shared>>) offsets(%dma_start3A_89 : memref<128xi32, #tpu.memory_space<vmem>>) semaphore(%run_scoped3A : memref<!tpu.dma_semaphore, #tpu.memory_space<semaphore_mem>>) {add = true}
        %dma_wait3A_93 = arith.constant 0 : i32
        %dma_wait3A_94 = tpu.memref_slice %arg8[%mul3A_58, %dma_wait3A_93] : memref<40x128xi32, #tpu.memory_space<vmem>> -> memref<1x128xi32, #tpu.memory_space<vmem>>
        %dma_wait3A_95 = tpu.memref_squeeze %dma_wait3A_94 : memref<1x128xi32, #tpu.memory_space<vmem>> -> memref<128xi32, #tpu.memory_space<vmem>>
        %dma_wait3A_96 = arith.constant 0 : i32
        %dma_wait3A_97 = arith.constant 0 : i32
        %dma_wait3A_98 = tpu.memref_slice %arg11[%dma_wait3A_96, %dma_wait3A_97] : memref<10112x128xf32, #tpu.memory_space<vmem_shared>> -> memref<10112x128xf32, #tpu.memory_space<vmem_shared>>
        tpu.wait_indirect_dma semaphore(%run_scoped3A : memref<!tpu.dma_semaphore, #tpu.memory_space<semaphore_mem>>) src(%arg9 : memref<128x128xf32, #tpu.memory_space<vmem>>) dst(%dma_wait3A_98 : memref<10112x128xf32, #tpu.memory_space<vmem_shared>>)
        tpu.yield
      }) : () -> ()
      %add3A_68 = arith.constant 2 : i32
      %add3A_69 = arith.addi %mul3A_58, %add3A_68 : i32
      %lt3A = arith.constant 40 : i32
      %lt3A_70 = arith.cmpi slt, %add3A_69, %lt3A : i32
      %convert_element_type3A_71 = arith.extui %lt3A_70 : i1 to i32
      %cond3A_72 = arith.constant 0 : i32
      %cond3A_73 = arith.cmpi ne, %convert_element_type3A_71, %cond3A_72 : i32
      scf.if %cond3A_73 {
        %add3A_87 = arith.constant 2 : i32
        %add3A_88 = arith.addi %mul3A_58, %add3A_87 : i32
        %dma_start3A_89 = arith.constant 0 : i32
        %dma_start3A_90 = tpu.memref_slice %arg7[%add3A_88, %dma_start3A_89] : memref<40x128xi32, #tpu.memory_space<vmem>> -> memref<1x128xi32, #tpu.memory_space<vmem>>
        %dma_start3A_91 = tpu.memref_squeeze %dma_start3A_90 : memref<1x128xi32, #tpu.memory_space<vmem>> -> memref<128xi32, #tpu.memory_space<vmem>>
        %dma_start3A_92 = arith.constant 0 : i32
        %dma_start3A_93 = arith.constant 0 : i32
        %dma_start3A_94 = tpu.memref_slice %arg2[%dma_start3A_92, %dma_start3A_93] : memref<10112x128xf32, #tpu.memory_space<hbm>> -> memref<10112x128xf32, #tpu.memory_space<hbm>>
        tpu.enqueue_indirect_dma source(%dma_start3A_94 : memref<10112x128xf32, #tpu.memory_space<hbm>>) target(%arg9 : memref<128x128xf32, #tpu.memory_space<vmem>>) offsets(%dma_start3A_91 : memref<128xi32, #tpu.memory_space<vmem>>) semaphore(%arg12 : memref<!tpu.dma_semaphore, #tpu.memory_space<semaphore_mem>>)
      } else {
      }
      %dma_wait3A_74 = arith.constant 0 : i32
      %dma_wait3A_75 = tpu.memref_slice %arg7[%add3A_62, %dma_wait3A_74] : memref<40x128xi32, #tpu.memory_space<vmem>> -> memref<1x128xi32, #tpu.memory_space<vmem>>
      %dma_wait3A_76 = tpu.memref_squeeze %dma_wait3A_75 : memref<1x128xi32, #tpu.memory_space<vmem>> -> memref<128xi32, #tpu.memory_space<vmem>>
      %dma_wait3A_77 = arith.constant 0 : i32
      %dma_wait3A_78 = arith.constant 0 : i32
      %dma_wait3A_79 = tpu.memref_slice %arg2[%dma_wait3A_77, %dma_wait3A_78] : memref<10112x128xf32, #tpu.memory_space<hbm>> -> memref<10112x128xf32, #tpu.memory_space<hbm>>
      tpu.wait_indirect_dma semaphore(%arg13 : memref<!tpu.dma_semaphore, #tpu.memory_space<semaphore_mem>>) src(%dma_wait3A_79 : memref<10112x128xf32, #tpu.memory_space<hbm>>) dst(%arg10 : memref<128x128xf32, #tpu.memory_space<vmem>>)
      "tpu.region"() ({
        %run_scoped3A = tpu.sem_alloc : memref<!tpu.dma_semaphore, #tpu.memory_space<semaphore_mem>>
        %dma_start3A_87 = arith.constant 0 : i32
        %dma_start3A_88 = tpu.memref_slice %arg8[%add3A_62, %dma_start3A_87] : memref<40x128xi32, #tpu.memory_space<vmem>> -> memref<1x128xi32, #tpu.memory_space<vmem>>
        %dma_start3A_89 = tpu.memref_squeeze %dma_start3A_88 : memref<1x128xi32, #tpu.memory_space<vmem>> -> memref<128xi32, #tpu.memory_space<vmem>>
        %dma_start3A_90 = arith.constant 0 : i32
        %dma_start3A_91 = arith.constant 0 : i32
        %dma_start3A_92 = tpu.memref_slice %arg11[%dma_start3A_90, %dma_start3A_91] : memref<10112x128xf32, #tpu.memory_space<vmem_shared>> -> memref<10112x128xf32, #tpu.memory_space<vmem_shared>>
        tpu.enqueue_indirect_dma source(%arg10 : memref<128x128xf32, #tpu.memory_space<vmem>>) target(%dma_start3A_92 : memref<10112x128xf32, #tpu.memory_space<vmem_shared>>) offsets(%dma_start3A_89 : memref<128xi32, #tpu.memory_space<vmem>>) semaphore(%run_scoped3A : memref<!tpu.dma_semaphore, #tpu.memory_space<semaphore_mem>>) {add = true}
        %dma_wait3A_93 = arith.constant 0 : i32
        %dma_wait3A_94 = tpu.memref_slice %arg8[%add3A_62, %dma_wait3A_93] : memref<40x128xi32, #tpu.memory_space<vmem>> -> memref<1x128xi32, #tpu.memory_space<vmem>>
        %dma_wait3A_95 = tpu.memref_squeeze %dma_wait3A_94 : memref<1x128xi32, #tpu.memory_space<vmem>> -> memref<128xi32, #tpu.memory_space<vmem>>
        %dma_wait3A_96 = arith.constant 0 : i32
        %dma_wait3A_97 = arith.constant 0 : i32
        %dma_wait3A_98 = tpu.memref_slice %arg11[%dma_wait3A_96, %dma_wait3A_97] : memref<10112x128xf32, #tpu.memory_space<vmem_shared>> -> memref<10112x128xf32, #tpu.memory_space<vmem_shared>>
        tpu.wait_indirect_dma semaphore(%run_scoped3A : memref<!tpu.dma_semaphore, #tpu.memory_space<semaphore_mem>>) src(%arg10 : memref<128x128xf32, #tpu.memory_space<vmem>>) dst(%dma_wait3A_98 : memref<10112x128xf32, #tpu.memory_space<vmem_shared>>)
        tpu.yield
      }) : () -> ()
      %add3A_80 = arith.constant 2 : i32
      %add3A_81 = arith.addi %add3A_62, %add3A_80 : i32
      %lt3A_82 = arith.constant 40 : i32
      %lt3A_83 = arith.cmpi slt, %add3A_81, %lt3A_82 : i32
      %convert_element_type3A_84 = arith.extui %lt3A_83 : i1 to i32
      %cond3A_85 = arith.constant 0 : i32
      %cond3A_86 = arith.cmpi ne, %convert_element_type3A_84, %cond3A_85 : i32
      scf.if %cond3A_86 {
        %add3A_87 = arith.constant 2 : i32
        %add3A_88 = arith.addi %add3A_62, %add3A_87 : i32
        %dma_start3A_89 = arith.constant 0 : i32
        %dma_start3A_90 = tpu.memref_slice %arg7[%add3A_88, %dma_start3A_89] : memref<40x128xi32, #tpu.memory_space<vmem>> -> memref<1x128xi32, #tpu.memory_space<vmem>>
        %dma_start3A_91 = tpu.memref_squeeze %dma_start3A_90 : memref<1x128xi32, #tpu.memory_space<vmem>> -> memref<128xi32, #tpu.memory_space<vmem>>
        %dma_start3A_92 = arith.constant 0 : i32
        %dma_start3A_93 = arith.constant 0 : i32
        %dma_start3A_94 = tpu.memref_slice %arg2[%dma_start3A_92, %dma_start3A_93] : memref<10112x128xf32, #tpu.memory_space<hbm>> -> memref<10112x128xf32, #tpu.memory_space<hbm>>
        tpu.enqueue_indirect_dma source(%dma_start3A_94 : memref<10112x128xf32, #tpu.memory_space<hbm>>) target(%arg10 : memref<128x128xf32, #tpu.memory_space<vmem>>) offsets(%dma_start3A_91 : memref<128xi32, #tpu.memory_space<vmem>>) semaphore(%arg13 : memref<!tpu.dma_semaphore, #tpu.memory_space<semaphore_mem>>)
      } else {
      }
    }
    %scan3A_54 = arith.constant 20 : i32
    %barrier3A_55 = arith.constant 0 : index
    tpu.barrier barrier_id(%barrier3A_55)
    "tpu.region"() ({
      %run_scoped3A = tpu.sem_alloc : memref<!tpu.dma_semaphore, #tpu.memory_space<semaphore_mem>>
      %dma_start3A_56 = arith.constant 0 : i32
      %dma_start3A_57 = tpu.memref_slice %arg6[%arg0, %mul3A_0, %dma_start3A_56] : memref<2x10112x128xf32, #tpu.memory_space<hbm>> -> memref<1x632x128xf32, #tpu.memory_space<hbm>>
      %dma_start3A_58 = tpu.memref_squeeze %dma_start3A_57 : memref<1x632x128xf32, #tpu.memory_space<hbm>> -> memref<632x128xf32, #tpu.memory_space<hbm>>
      %dma_start3A_59 = arith.constant 0 : i32
      %dma_start3A_60 = tpu.memref_slice %arg11[%mul3A_0, %dma_start3A_59] : memref<10112x128xf32, #tpu.memory_space<vmem_shared>> -> memref<632x128xf32, #tpu.memory_space<vmem_shared>>
      tpu.enqueue_dma source(%dma_start3A_60 : memref<632x128xf32, #tpu.memory_space<vmem_shared>>) target(%dma_start3A_58 : memref<632x128xf32, #tpu.memory_space<hbm>>) target_semaphore(%run_scoped3A : memref<!tpu.dma_semaphore, #tpu.memory_space<semaphore_mem>>)
      %dma_wait3A = arith.constant 0 : i32
      %dma_wait3A_61 = tpu.memref_slice %arg6[%arg0, %mul3A_0, %dma_wait3A] : memref<2x10112x128xf32, #tpu.memory_space<hbm>> -> memref<1x632x128xf32, #tpu.memory_space<hbm>>
      %dma_wait3A_62 = tpu.memref_squeeze %dma_wait3A_61 : memref<1x632x128xf32, #tpu.memory_space<hbm>> -> memref<632x128xf32, #tpu.memory_space<hbm>>
      %dma_wait3A_63 = arith.constant 0 : i32
      %dma_wait3A_64 = tpu.memref_slice %arg11[%mul3A_0, %dma_wait3A_63] : memref<10112x128xf32, #tpu.memory_space<vmem_shared>> -> memref<632x128xf32, #tpu.memory_space<vmem_shared>>
      tpu.wait_dma2 semaphore(%run_scoped3A : memref<!tpu.dma_semaphore, #tpu.memory_space<semaphore_mem>>) src(%dma_wait3A_64 : memref<632x128xf32, #tpu.memory_space<vmem_shared>>) dst(%dma_wait3A_62 : memref<632x128xf32, #tpu.memory_space<hbm>>)
      tpu.yield
    }) : () -> ()
    return
  }
}

module attributes {stable_mosaic.version = 14 : i64} {
  func.func @_tc_first_body(%arg0: memref<10000x128xf32, #tpu.memory_space<vmem>>, %arg1: memref<128x128xf32, #tpu.memory_space<vmem>>, %arg2: memref<2x10112xf32, #tpu.memory_space<vmem>>, %arg3: memref<10112x128xf32, #tpu.memory_space<vmem>>, %arg4: memref<10112x1xf32, #tpu.memory_space<vmem>>) attributes {dimension_semantics = [], scalar_prefetch = 0 : i64, scratch_operands = 0 : i64, tpu.core_type = #tpu.core_type<tc>} {
    %get3A = arith.constant 0 : index
    %get3A_0 = arith.constant 0 : index
    %get3A_1 = vector.load %arg2[%get3A, %get3A_0] : memref<2x10112xf32, #tpu.memory_space<vmem>>, vector<2x10112xf32>
    %slice3A = vector.extract_strided_slice %get3A_1 {offsets = [0, 0], sizes = [1, 10112], strides = [1, 1]} : vector<2x10112xf32> to vector<1x10112xf32>
    %squeeze3A = vector.shape_cast %slice3A : vector<1x10112xf32> to vector<10112xf32>
    %slice3A_2 = vector.extract_strided_slice %get3A_1 {offsets = [1, 0], sizes = [1, 10112], strides = [1, 1]} : vector<2x10112xf32> to vector<1x10112xf32>
    %squeeze3A_3 = vector.shape_cast %slice3A_2 : vector<1x10112xf32> to vector<10112xf32>
    %add3A = arith.addf %squeeze3A, %squeeze3A_3 : vector<10112xf32>
    %broadcast_in_dim3A = vector.shape_cast %add3A : vector<10112xf32> to vector<10112x1xf32>
    %iota3A = tpu.iota {dimensions = array<i32: 0>} : vector<10112x1xi32>
    %gt3A = arith.constant 0.000000e+00 : f32
    %gt3A_4 = vector.broadcast %gt3A : f32 to vector<10112x1xf32>
    %gt3A_5 = arith.cmpf ogt, %broadcast_in_dim3A, %gt3A_4 : vector<10112x1xf32>
    %lt3A = arith.constant 10000 : i32
    %lt3A_6 = vector.broadcast %lt3A : i32 to vector<10112x1xi32>
    %lt3A_7 = arith.cmpi slt, %iota3A, %lt3A_6 : vector<10112x1xi32>
    %and3A = arith.andi %gt3A_5, %lt3A_7 : vector<10112x1xi1>
    %rsqrt3A = math.rsqrt %broadcast_in_dim3A : vector<10112x1xf32>
    %jit3A = arith.constant 0.000000e+00 : f32
    %broadcast_in_dim3A_8 = vector.broadcast %jit3A : f32 to vector<10112x1xf32>
    %select_n3A = arith.select %and3A, %rsqrt3A, %broadcast_in_dim3A_8 : vector<10112x1xi1>, vector<10112x1xf32>
    %get3A_9 = arith.constant 0 : index
    %get3A_10 = arith.constant 0 : index
    %get3A_11 = vector.load %arg0[%get3A_9, %get3A_10] : memref<10000x128xf32, #tpu.memory_space<vmem>>, vector<10000x128xf32>
    %get3A_12 = arith.constant 0 : index
    %get3A_13 = arith.constant 0 : index
    %get3A_14 = vector.load %arg1[%get3A_12, %get3A_13] : memref<128x128xf32, #tpu.memory_space<vmem>>, vector<128x128xf32>
    %dot_general3A = arith.constant dense<0.000000e+00> : vector<10000x128xf32>
    %dot_general3A_15 = tpu.matmul %get3A_11, %get3A_14, %dot_general3A {dimension_numbers = #tpu.dot_dimension_numbers<[1], [0], [0], [1], [0, 0, 1, 1], [], []>, transpose_lhs_hint = false} : vector<10000x128xf32>, vector<128x128xf32>, vector<10000x128xf32> -> vector<10000x128xf32>
    %slice3A_16 = vector.extract_strided_slice %select_n3A {offsets = [0, 0], sizes = [10000, 1], strides = [1, 1]} : vector<10112x1xf32> to vector<10000x1xf32>
    %mul3A = vector.broadcast %slice3A_16 : vector<10000x1xf32> to vector<10000x128xf32>
    %mul3A_17 = arith.mulf %dot_general3A_15, %mul3A : vector<10000x128xf32>
    %swap3A = arith.constant 0 : index
    %swap3A_18 = arith.constant 0 : index
    %swap3A_19 = vector.load %arg3[%swap3A, %swap3A_18] : memref<10112x128xf32, #tpu.memory_space<vmem>>, vector<10000x128xf32>
    tpu.vector_store %arg3[%swap3A, %swap3A_18], %mul3A_17 {strides = array<i32>} : memref<10112x128xf32, #tpu.memory_space<vmem>>, vector<10000x128xf32>,
    %broadcast_in_dim3A_20 = arith.constant 0.000000e+00 : f32
    %broadcast_in_dim3A_21 = vector.broadcast %broadcast_in_dim3A_20 : f32 to vector<112x128xf32>
    %swap3A_22 = arith.constant 10000 : index
    %swap3A_23 = arith.constant 0 : index
    %swap3A_24 = vector.load %arg3[%swap3A_22, %swap3A_23] : memref<10112x128xf32, #tpu.memory_space<vmem>>, vector<112x128xf32>
    tpu.vector_store %arg3[%swap3A_22, %swap3A_23], %broadcast_in_dim3A_21 {strides = array<i32>} : memref<10112x128xf32, #tpu.memory_space<vmem>>, vector<112x128xf32>,
    %swap3A_25 = arith.constant 0 : index
    %swap3A_26 = arith.constant 0 : index
    %swap3A_27 = vector.load %arg4[%swap3A_25, %swap3A_26] : memref<10112x1xf32, #tpu.memory_space<vmem>>, vector<10112x1xf32>
    tpu.vector_store %arg4[%swap3A_25, %swap3A_26], %select_n3A {strides = array<i32>} : memref<10112x1xf32, #tpu.memory_space<vmem>>, vector<10112x1xf32>,
    return
  }
}

module attributes {stable_mosaic.version = 14 : i64} {
  func.func @_tc_mid_body(%arg0: memref<2x10112x128xf32, #tpu.memory_space<vmem>>, %arg1: memref<10112x1xf32, #tpu.memory_space<vmem>>, %arg2: memref<1x128xf32, #tpu.memory_space<vmem>>, %arg3: memref<128x128xf32, #tpu.memory_space<vmem>>, %arg4: memref<10112x128xf32, #tpu.memory_space<vmem>>) attributes {dimension_semantics = [], scalar_prefetch = 0 : i64, scratch_operands = 0 : i64, tpu.core_type = #tpu.core_type<tc>} {
    %get3A = arith.constant 0 : index
    %get3A_0 = arith.constant 0 : index
    %get3A_1 = arith.constant 0 : index
    %get3A_2 = vector.load %arg0[%get3A, %get3A_0, %get3A_1] : memref<2x10112x128xf32, #tpu.memory_space<vmem>>, vector<2x10112x128xf32>
    %get3A_3 = arith.constant 0 : index
    %get3A_4 = arith.constant 0 : index
    %get3A_5 = vector.load %arg1[%get3A_3, %get3A_4] : memref<10112x1xf32, #tpu.memory_space<vmem>>, vector<10112x1xf32>
    %slice3A = vector.extract_strided_slice %get3A_2 {offsets = [0, 0, 0], sizes = [1, 10112, 128], strides = [1, 1, 1]} : vector<2x10112x128xf32> to vector<1x10112x128xf32>
    %squeeze3A = vector.shape_cast %slice3A : vector<1x10112x128xf32> to vector<10112x128xf32>
    %slice3A_6 = vector.extract_strided_slice %get3A_2 {offsets = [1, 0, 0], sizes = [1, 10112, 128], strides = [1, 1, 1]} : vector<2x10112x128xf32> to vector<1x10112x128xf32>
    %squeeze3A_7 = vector.shape_cast %slice3A_6 : vector<1x10112x128xf32> to vector<10112x128xf32>
    %add3A = arith.addf %squeeze3A, %squeeze3A_7 : vector<10112x128xf32>
    %mul3A = vector.broadcast %get3A_5 : vector<10112x1xf32> to vector<10112x128xf32>
    %mul3A_8 = arith.mulf %mul3A, %add3A : vector<10112x128xf32>
    %get3A_9 = arith.constant 0 : index
    %get3A_10 = arith.constant 0 : index
    %get3A_11 = vector.load %arg2[%get3A_9, %get3A_10] : memref<1x128xf32, #tpu.memory_space<vmem>>, vector<1x128xf32>
    %add3A_12 = vector.broadcast %get3A_11 : vector<1x128xf32> to vector<10112x128xf32>
    %add3A_13 = arith.addf %mul3A_8, %add3A_12 : vector<10112x128xf32>
    %ge3A = arith.constant 0.000000e+00 : f32
    %ge3A_14 = vector.broadcast %ge3A : f32 to vector<10112x128xf32>
    %ge3A_15 = arith.cmpf oge, %add3A_13, %ge3A_14 : vector<10112x128xf32>
    %mul3A_16 = arith.constant 0.00999999977 : f32
    %mul3A_17 = vector.broadcast %mul3A_16 : f32 to vector<10112x128xf32>
    %mul3A_18 = arith.mulf %mul3A_17, %add3A_13 : vector<10112x128xf32>
    %select_n3A = arith.select %ge3A_15, %add3A_13, %mul3A_18 : vector<10112x128xi1>, vector<10112x128xf32>
    %get3A_19 = arith.constant 0 : index
    %get3A_20 = arith.constant 0 : index
    %get3A_21 = vector.load %arg3[%get3A_19, %get3A_20] : memref<128x128xf32, #tpu.memory_space<vmem>>, vector<128x128xf32>
    %dot_general3A = arith.constant dense<0.000000e+00> : vector<10112x128xf32>
    %dot_general3A_22 = tpu.matmul %select_n3A, %get3A_21, %dot_general3A {dimension_numbers = #tpu.dot_dimension_numbers<[1], [0], [0], [1], [0, 0, 1, 1], [], []>, transpose_lhs_hint = false} : vector<10112x128xf32>, vector<128x128xf32>, vector<10112x128xf32> -> vector<10112x128xf32>
    %mul3A_23 = vector.broadcast %get3A_5 : vector<10112x1xf32> to vector<10112x128xf32>
    %mul3A_24 = arith.mulf %dot_general3A_22, %mul3A_23 : vector<10112x128xf32>
    %swap3A = arith.constant 0 : index
    %swap3A_25 = arith.constant 0 : index
    %swap3A_26 = vector.load %arg4[%swap3A, %swap3A_25] : memref<10112x128xf32, #tpu.memory_space<vmem>>, vector<10112x128xf32>
    tpu.vector_store %arg4[%swap3A, %swap3A_25], %mul3A_24 {strides = array<i32>} : memref<10112x128xf32, #tpu.memory_space<vmem>>, vector<10112x128xf32>,
    return
  }
}

module attributes {stable_mosaic.version = 14 : i64} {
  func.func @_tc_last_body(%arg0: memref<2x10112x128xf32, #tpu.memory_space<vmem>>, %arg1: memref<10112x1xf32, #tpu.memory_space<vmem>>, %arg2: memref<1x128xf32, #tpu.memory_space<vmem>>, %arg3: memref<10000x128xf32, #tpu.memory_space<vmem>>) attributes {dimension_semantics = [], scalar_prefetch = 0 : i64, scratch_operands = 0 : i64, tpu.core_type = #tpu.core_type<tc>} {
    %get3A = arith.constant 0 : index
    %get3A_0 = arith.constant 0 : index
    %get3A_1 = arith.constant 0 : index
    %get3A_2 = vector.load %arg0[%get3A, %get3A_0, %get3A_1] : memref<2x10112x128xf32, #tpu.memory_space<vmem>>, vector<2x10112x128xf32>
    %get3A_3 = arith.constant 0 : index
    %get3A_4 = arith.constant 0 : index
    %get3A_5 = vector.load %arg1[%get3A_3, %get3A_4] : memref<10112x1xf32, #tpu.memory_space<vmem>>, vector<10112x1xf32>
    %slice3A = vector.extract_strided_slice %get3A_5 {offsets = [0, 0], sizes = [10000, 1], strides = [1, 1]} : vector<10112x1xf32> to vector<10000x1xf32>
    %slice3A_6 = vector.extract_strided_slice %get3A_2 {offsets = [0, 0, 0], sizes = [1, 10000, 128], strides = [1, 1, 1]} : vector<2x10112x128xf32> to vector<1x10000x128xf32>
    %squeeze3A = vector.shape_cast %slice3A_6 : vector<1x10000x128xf32> to vector<10000x128xf32>
    %slice3A_7 = vector.extract_strided_slice %get3A_2 {offsets = [1, 0, 0], sizes = [1, 10000, 128], strides = [1, 1, 1]} : vector<2x10112x128xf32> to vector<1x10000x128xf32>
    %squeeze3A_8 = vector.shape_cast %slice3A_7 : vector<1x10000x128xf32> to vector<10000x128xf32>
    %add3A = arith.addf %squeeze3A, %squeeze3A_8 : vector<10000x128xf32>
    %mul3A = vector.broadcast %slice3A : vector<10000x1xf32> to vector<10000x128xf32>
    %mul3A_9 = arith.mulf %mul3A, %add3A : vector<10000x128xf32>
    %get3A_10 = arith.constant 0 : index
    %get3A_11 = arith.constant 0 : index
    %get3A_12 = vector.load %arg2[%get3A_10, %get3A_11] : memref<1x128xf32, #tpu.memory_space<vmem>>, vector<1x128xf32>
    %add3A_13 = vector.broadcast %get3A_12 : vector<1x128xf32> to vector<10000x128xf32>
    %add3A_14 = arith.addf %mul3A_9, %add3A_13 : vector<10000x128xf32>
    %ge3A = arith.constant 0.000000e+00 : f32
    %ge3A_15 = vector.broadcast %ge3A : f32 to vector<10000x128xf32>
    %ge3A_16 = arith.cmpf oge, %add3A_14, %ge3A_15 : vector<10000x128xf32>
    %mul3A_17 = arith.constant 0.00999999977 : f32
    %mul3A_18 = vector.broadcast %mul3A_17 : f32 to vector<10000x128xf32>
    %mul3A_19 = arith.mulf %mul3A_18, %add3A_14 : vector<10000x128xf32>
    %select_n3A = arith.select %ge3A_16, %add3A_14, %mul3A_19 : vector<10000x128xi1>, vector<10000x128xf32>
    %swap3A = arith.constant 0 : index
    %swap3A_20 = arith.constant 0 : index
    %swap3A_21 = vector.load %arg3[%swap3A, %swap3A_20] : memref<10000x128xf32, #tpu.memory_space<vmem>>, vector<10000x128xf32>
    tpu.vector_store %arg3[%swap3A, %swap3A_20], %select_n3A {strides = array<i32>} : memref<10000x128xf32, #tpu.memory_space<vmem>>, vector<10000x128xf32>,
    return
  }
}

</mosaic_0001>

<sc_bundles>
// kernel: kernel.11.cloned.1.call-start
scs
__scs_entry_jumppad:
0x0: {  	(pc) =	sbr.rel $0x88, $3  }
0x1: {  	(tag) =	ssettag $0x0;
	lr =	simm.s32 $0x1  }
0x2: {  	[smem:$0x3F9B] =	sst lr;
	_ =	strace $0xD0000000  }
0x3: {  	_ = 	snop  }
0x4: {  	_ = 	snop  }
0x5: {  	_ = 	snop  }
0x6: {  	_ = 	snop  }
0x7: {  	_ = 	snop  }
__scs_overlays_trampoline_lowered:
0x8: {  	[smem:$0x3FAA] =	sst s0  }
0x9: {  	[smem:$0x3FAB] =	sst s1  }
0xa: {  	[smem:$0x3FAC] =	sst s2  }
0xb: {  	[smem:$0x3FAD] =	sst s3  }
0xc: {  	[smem:$0x3FAE] =	sst s4  }
0xd: {  	[smem:$0x3FAF] =	sst s5  }
0xe: {  	[smem:$0x3FB0] =	sst s6  }
0xf: {  	[smem:$0x3FB1] =	sst s7  }
0x10: {  	[smem:$0x3FB2] =	sst s8  }
0x11: {  	[smem:$0x3FB3] =	sst s9;
	s0 =	simm.s32 @!p0 $0x0  }
0x12: {  	s1 =	sld [smem:$0x3F99];
	s0 =	simm.s32 @p0 $0x1  }
0x13: {  	[smem:$0x3FB4] =	sst s0;
	s0 =	simm.s32 @!p1 $0x0  }
0x14: {  	s2 =	sld [smem:$0x3F98];
	s0 =	simm.s32 @p1 $0x1  }
0x15: {  	[smem:$0x3FB5] =	sst s0;
	s0 =	simm.s32 @!p2 $0x0  }
0x16: {  	s3 =	sld [smem:$0x3FDB];
	s0 =	simm.s32 @p2 $0x1  }
0x17: {  	s4 =	simm.s32 $0x1BF5;
	[smem:$0x3FB7] =	sst s0  }
0x18: {  	s0 =	sld [smem:$0x3F9A];
	_ =	swait.ge [sflag:s4], $0x0  }
0x19: {  	s7 =	sld [smem:$0x3F9B]  }
0x1a: {  	s8 =	sadd.s32 $0xFFFFE003, lr  }
0x1b: {  	s9 =	sadd.s32 $0xFFFFFEF7, lr;
	s5 =	simm.s32 $0xFFFFFFFF;
	p2 =	slt.u32 s8, $0xFFFFF086  }
0x1c: {  	p1 =	slt.u32 s9, $0xF7A;
	s5 =	simm.s32 @!p2 $0x0  }
0x1d: {  	s5 =	simm.s32 @p1 $0x1;
	p0 =	seq.s32 s7, s2  }
0x1e: {  	s7 =	smul.u32 @!p0 $0xF7A, s2;
	p2 =	seq.s32 @!p0 s5, $0x0  }
0x1f: {  	s9 =	smul.u32 $0xF7A, s1;
	s8 =	simm.s32 @!p0 $0x1BF5;
	p2 =	por !p2, p0  }
0x20: {  	[sflag:s8] =	ssyncset.s32 @!p0 $0xFFFFF086;
	s6 =	sadd.s32 @!p0 s3, s7;
	s7 =	simm.s32 @!p0 $0x108  }
0x21: {  	s3 =	sadd.s32 s3, s9;
	s6 =	sadd.s32 @!p0 $0x88, s6;
	s7 =	simm.s32 @p2 $0x1082  }
0x22: {  	[simem:s7], [sflag:s8] =	dma.local @!p0 [hbm:s6], $0xF7A  }
0x23: {  	s9 =	sor.u32 $0xD0000000, s2;
	s6 =	simm.s32 $0x108;
	_ =	swait.ge @!p0 [sflag:s8], $0x0  }
0x24: {  	s3 =	sadd.s32 $0x88, s3;
	s6 =	simm.s32 @!p1 $0x1082;
	[sflag:s4] =	ssyncset.s32 $0xFFFFF086  }
0x25: {  	[simem:s6], [sflag:s4] =	dma.local [hbm:s3], $0xF7A  }
0x26: {  	[smem:$0x3F9B] =	sst s1;
	(tag) =	ssettag s2;
	_ =	strace s9  }
0x27: {  	s1 =	sld [smem:$0x3FAB]  }
0x28: {  	s2 =	sld [smem:$0x3FAC]  }
0x29: {  	s4 =	sld [smem:$0x3FAE]  }
0x2a: {  	p0 =	seq.s32 s5, $0x0;
	s5 =	sld [smem:$0x3FAF]  }
0x2b: {  	s6 =	sld [smem:$0x3FB0]  }
0x2c: {  	s7 =	sld [smem:$0x3FB1]  }
0x2d: {  	s3 =	simm.s32 $0x108;
	s8 =	sld [smem:$0x3FB2]  }
0x2e: {  	s3 =	simm.s32 @!p0 $0x1082;
	s9 =	sld [smem:$0x3FB3]  }
0x2f: {  	lr =	sadd.s32 s0, s3;
	s0 =	sld [smem:$0x3FAA]  }
0x30: {  	s3 =	sld [smem:$0x3FAD]  }
0x31: {  	[smem:$0x3FB6] =	sst s10  }
0x32: {  	s10 =	sld [smem:$0x3FB4];
	_ =	sdelay $0x3  }
0x33: {  	p0 =	seq.s32 s10, $0x1;
	s10 =	sld [smem:$0x3FB6];
	_ =	sdelay $0x3  }
0x34: {  	[smem:$0x3FB6] =	sst s10  }
0x35: {  	s10 =	sld [smem:$0x3FB5];
	_ =	sdelay $0x3  }
0x36: {  	p1 =	seq.s32 s10, $0x1;
	s10 =	sld [smem:$0x3FB6];
	_ =	sdelay $0x3  }
0x37: {  	[smem:$0x3FB6] =	sst s10  }
0x38: {  	s10 =	sld [smem:$0x3FB7]  }
0x39: {  	_ = 	snop;
	(pc) =	sbr.ind lr, $3  }
0x3a: {  	_ = 	snop  }
0x3b: {  	_ = 	snop  }
0x3c: {  	p2 =	seq.s32 s10, $0x1;
	s10 =	sld [smem:$0x3FB6]  }
0x3d: {  	_ =	shalt  }
0x3e: {  	_ =	shalt  }
0x3f: {  	_ =	shalt  }
0x40: {  	_ =	shalt  }
0x41: {  	_ =	shalt  }
0x42: {  	_ =	shalt  }
0x43: {  	_ =	shalt  }
0x44: {  	_ =	shalt  }
0x45: {  	_ =	shalt  }
0x46: {  	_ =	shalt  }
0x47: {  	_ =	shalt  }
0x48: {  	_ =	shalt  }
0x49: {  	_ =	shalt  }
0x4a: {  	_ =	shalt  }
0x4b: {  	_ =	shalt  }
0x4c: {  	_ =	shalt  }
0x4d: {  	_ =	shalt  }
0x4e: {  	_ =	shalt  }
0x4f: {  	_ =	shalt  }
0x50: {  	_ =	shalt  }
0x51: {  	_ =	shalt  }
0x52: {  	_ =	shalt  }
0x53: {  	_ =	shalt  }
0x54: {  	_ =	shalt  }
0x55: {  	_ =	shalt  }
0x56: {  	_ =	shalt  }
0x57: {  	_ =	shalt  }
0x58: {  	_ =	shalt  }
0x59: {  	_ =	shalt  }
0x5a: {  	_ =	shalt  }
0x5b: {  	_ =	shalt  }
0x5c: {  	_ =	shalt  }
0x5d: {  	_ =	shalt  }
0x5e: {  	_ =	shalt  }
0x5f: {  	_ =	shalt  }
0x60: {  	_ =	shalt  }
0x61: {  	_ =	shalt  }
0x62: {  	_ =	shalt  }
0x63: {  	_ =	shalt  }
0x64: {  	_ =	shalt  }
0x65: {  	_ =	shalt  }
0x66: {  	_ =	shalt  }
0x67: {  	_ =	shalt  }
0x68: {  	_ =	shalt  }
0x69: {  	_ =	shalt  }
0x6a: {  	_ =	shalt  }
0x6b: {  	_ =	shalt  }
0x6c: {  	_ =	shalt  }
0x6d: {  	_ =	shalt  }
0x6e: {  	_ =	shalt  }
0x6f: {  	_ =	shalt  }
0x70: {  	_ =	shalt  }
0x71: {  	_ =	shalt  }
0x72: {  	_ =	shalt  }
0x73: {  	_ =	shalt  }
0x74: {  	_ =	shalt  }
0x75: {  	_ =	shalt  }
0x76: {  	_ =	shalt  }
0x77: {  	_ =	shalt  }
0x78: {  	_ =	shalt  }
0x79: {  	_ =	shalt  }
0x7a: {  	_ =	shalt  }
0x7b: {  	_ =	shalt  }
0x7c: {  	_ =	shalt  }
0x7d: {  	_ =	shalt  }
0x7e: {  	_ =	shalt  }
0x7f: {  	_ =	shalt  }
0x80: {  	_ =	shalt  }
0x81: {  	_ =	shalt  }
0x82: {  	_ =	shalt  }
0x83: {  	_ =	shalt  }
0x84: {  	_ =	shalt  }
0x85: {  	_ =	shalt  }
0x86: {  	_ =	shalt  }
0x87: {  	_ =	shalt  }
.Lfunc_end0:
.L_simem_size_0:
called_computation.1_lowered:
.L_overlay_start_0:
0x88: {  	s2 =	sld [smem:$0x3FD9]  }
0x89: {  	s3 =	sld [smem:$0x3FFE];
	_ =	sdelay $0x1  }
0x8a: {  	s1 =	srdreg.scid  }
0x8b: {  	s0 =	sand.u32 $0x1, s1  }
0x8c: {  	s17 =	sshll.u32 s0, $0xA;
	s2 =	sadd.s32 s3, s2  }
0x8d: {  	s2 =	sadd.s32 s2, s17  }
0x8e: {  	[smem:$0x3FC2] =	sst s2  }
0x8f: {  	_ = 	snop  }
0x90: {  	s2 =	sld [smem:$0x3FD0];
	(tm) =	ssettm $0x1  }
0x91: {  	s18 =	sld [smem:$0x3FFB];
	_ =	sdelay $0x3  }
0x92: {  	_ =	strace s18  }
0x93: {  	s3 =	sld [smem:$0x3FFC];
	_ =	sdelay $0x3  }
0x94: {  	_ =	strace s3  }
0x95: {  	s3 =	sld [smem:$0x3FFD];
	_ =	sdelay $0x3  }
0x96: {  	_ =	strace s3  }
0x97: {  	_ =	strace $0x8FFFFFFF  }
0x98: {  	s19 =	sld [smem:$0x3FDB];
	_ =	sdelay $0x1  }
0x99: {  	s4 =	simm.s32 $_scs_section_size  }
0x9a: {  	s5 =	simm.s32 $_size__tile_overlayer_lowered;
	s6 =	simm.s32 $_tile_overlayer_lowered  }
0x9b: {  	s22 =	simm.s32 $0x1BFF;
	s21 =	sshll.u32 s6, $0x1;
	s3 =	sadd.s32 s4, s19  }
0x9c: {  	s7 =	simm.s32 $0x0;
	s20 =	sshll.u32 s5, $0x1;
	s5 =	sadd.s32 s21, s3  }
0x9d: {  	[timem:s7], [sflag:s22] =	dma.local [hbm:s5], s20  }
0x9e: {  	_ =	swait.ge [sflag:s22], s20  }
0x9f: {  	s4 =	ssub.s32 $0x0, s20;
	[sflag:s22] =	ssyncset.done $0x0  }
0xa0: {  	[sflag:s22] =	ssyncadd.s32 s4;
	_ =	sdelay $0x1  }
0xa1: {  	s23 =	simm.s32 $0x1B8B  }
0xa2: {  	_ =	swait.ge [sflag:s23], $0x1  }
0xa3: {  	[sflag:s23] =	ssyncset.done $0x0  }
0xa4: {  	s25 =	simm.s32 $0x1B8E;
	s24 =	sld [smem:$0x3FFE];
	[sflag:s23] =	ssyncadd.s32 $0xFFFFFFFF  }
0xa5: {  	s26 =	simm.s32 $execute0_lowered;
	[smem:$0x3FD2] =	sst s25  }
0xa6: {  	s5 =	sshll.u32 s26, $0x1;
	_ =	strace $0x80000049;
	[dreg:$0x1] =	wrdreg $0xFFFFFFFF  }
0xa7: {  	s28 =	simm.s32 $_size_execute0_lowered;
	s3 =	sadd.s32 s3, s5;
	[dreg:$0x0] =	wrdreg $0x0  }
0xa8: {  	s5 =	sshll.u32 s28, $0x1;
	[dreg:$0x2] =	wrdreg s3  }
0xa9: {  	[dreg:$0x3] =	wrdreg s5  }
0xaa: {  	[dreg:$0x4] =	wrdreg $0xC0  }
0xab: {  	_ =	task [dreg:s7], $0x5FFFF  }
0xac: {  	[dreg:$0x1] =	wrdreg $0xFFFFFFFF  }
0xad: {  	[dreg:$0x0] =	wrdreg $0x60  }
0xae: {  	[dreg:$0x2] =	wrdreg s24  }
0xaf: {  	[dreg:$0x3] =	wrdreg s2  }
0xb0: {  	[dreg:$0x4] =	wrdreg $0xA8000  }
0xb1: {  	[dreg:$0x5] =	wrdreg $0x9  }
0xb2: {  	_ =	task.clear_ibuf [dreg:s7], $0x6FFFF;
	_ =	strace $0x90000049  }
0xb3: {  	s29 =	simm.s32 $0x9;
	_ =	strace $0x8000004B  }
0xb4: {  	_ =	swait.ge [sflag:s29], $0x1  }
0xb5: {  	[sflag:s29] =	ssyncadd.s32 $0xFFFFFFFF  }
0xb6: {  	_ =	strace $0x9000004B  }
0xb7: {  	_ =	sfence  }
0xb8: {  	s30 =	sld [smem:$0x0];
	_ =	sdelay $0x2  }
0xb9: {  	s31 =	sshll.u32 s1, $0xD;
	s1 =	sshrl.u32 s1, $0x2  }
0xba: {  	s3 =	sand.u32 $0x4000, s31;
	s1 =	sadd.s32 s1, s30  }
0xbb: {  	s0 =	sor.u32 s3, s0;
	s1 =	sshll.u32 s1, $0x11  }
0xbc: {  	s0 =	sor.u32 s1, s0  }
0xbd: {  	s0 =	sadd.s32 $0x8F2B, s0  }
0xbe: {  	[sflag:s0] =	ssyncadd.remote.s32 $0x1  }
0xbf: {  	_ =	sfence.sel $0xFFFF  }
0xc0: {  	[dreg:$0x0] =	wrdreg $0xFFFFFFFF;
	(pc) =	sbr.abs _section_cstart, $3  }
0xc1: {  	[dreg:$0x1] =	wrdreg $0xFFFFFFFF  }
0xc2: {  	_ =	task.clear_ibuf [dreg:s7], $0x2FFFF;
	_ =	strace $0x9FFFFFFF  }
0xc3: {  	(tm) =	ssettm $0x7FFFFFFF  }
tec
execute0_lowered:
.L_overlay_start_1:
0x0: {  	(tag) =	ssettag $0x1  }
0x1: {  	s5 =	rddreg [dreg:$0x0]  }
0x2: {  	s9 =	rddreg [dreg:$0x1]  }
0x3: {  	s1 =	rddreg [dreg:$0x2]  }
0x4: {  	s2 =	srdreg.scid;
	s0 =	rddreg [dreg:$0x3]  }
0x5: {  	s3 =	simm.s32 $0x0;
	s17 =	simm.s32 $0x2800;
	s18 =	simm.s32 $0x6800  }
0x6: {  	s19 =	simm.s32 $0x1;
	s20 =	simm.s32 $0x2;
	s21 =	simm.s32 $0x2700  }
0x7: {  	s22 =	simm.s32 $0x2780;
	s11 =	sand.u32 $0x1, s2;
	s2 =	stileid.u32  }
0x8: {  	s23 =	simm.s32 $0x0;
	[smem:$0x7FF] =	sst s3;
	s6 =	smul.u32 $0x13C000, s11  }
0x9: {  	s4 =	sadd.s32 $0xC200, s5;
	s8 =	sadd.s32 $0x2200, s5;
	s7 =	smul.u32 $0x13C00, s2  }
0xa: {  	s12 =	sadd.s32 $0x33A00, s5;
	_ =	strace $0x8000004A;
	s13 =	smul.u32 $0x4F000, s2  }
0xb: {  	s26 =	sshll.u32 s11, $0x4;
	s10 =	ssub.s32 $0x2, s11;
	s28 =	smul.u32 $0x2780, s2  }
0xc: {  	p0 =	sne.s32 s11, $0x0;
	s31 =	sshll.u32 s2, $0x6;
	s14 =	sshrl.u32 s10, $0x1  }
0xd: {  	s6 =	sadd.s32 s7, s6;
	s7 =	sor.u32 s2, s26;
	s14 =	ssub.s32 s10, s14  }
0xe: {  	s29 =	sshrl.u32 s13, $0x2;
	s6 =	sshrl.u32 s6, $0x3;
	s15 =	smul.u32 $0x2800, s7  }
0xf: {  	s7 =	smul.u32 $0x500, s7;
	s13 =	sadd.s32 s29, s1;
	s11 =	smax.u32 s14, $0x1  }
0x10: {  	s14 =	simm.s32 $0x3;
	s16 =	sadd.s32 s6, s5;
	s5 =	sadd.s32 s4, s28  }
0x11: {  	s13 =	sshrl.u32 s13, $0x3;
	s30 =	sshrl.u32 s15, $0x3;
	s6 =	sadd.s32 s8, s7  }
0x12: {  	s7 =	sadd.s32 s9, s7;
	s5 =	smov.u32 @p0 s12;
	s10 =	sadd.s32 $0x280, s30  }
0x13: {  	s12 =	sor.u32 $0x1C03, s31;
	s15 =	simm.s32 $0x1400;
	s8 =	sadd.s32 s8, s10  }
0x14: {  	s9 =	sadd.s32 s9, s10;
	s10 =	sadd.s32 $0x36200, s16;
	s16 =	simm.s32 $0x80  }
.LBB2_1:
0x15: {  	[spmem:s13], [sflag:s12] =	dma.local [hbm:s5], $0x2780  }
0x16: {  	_ =	swait.ge [sflag:s14], $0x2780  }
0x17: {  	[sflag:s14] =	ssyncset.done $0x0  }
0x18: {  	[sflag:s14] =	ssyncadd.s32 $0xFFFFD880  }
0x19: {  	[bflag:$0x0] =	sbarrier.arrive $0xFFFF  }
0x1a: {  	[tilespmem:s3], [sflag:$0x3] =	stream.linear.gather [hbm4b:s6+s3], $0x1400, $0x38;
	[tilespmem:$0x1E400] =	vst v63  }
0x1b: {  	_ =	swait.ge [sflag:s14], $0x1400  }
0x1c: {  	[sflag:s14] =	ssyncset.done $0x0  }
0x1d: {  	[sflag:s14] =	ssyncadd.s32 $0xFFFFEC00  }
0x1e: {  	[tilespmem:s15], [sflag:$0x3] =	stream.linear.gather [hbm4b:s7+s3], $0x1400, $0x38;
	[tilespmem:$0x1E400] =	vst v63  }
0x1f: {  	_ =	swait.ge [sflag:s14], $0x1400  }
0x20: {  	[sflag:s14] =	ssyncset.done $0x0  }
0x21: {  	[sflag:s14] =	ssyncadd.s32 $0xFFFFEC00  }
0x22: {  	[tilespmem:s17], [sflag:$0x1] =	stream.indirect.gather [hbm4b:s4+s16], $0x80, s3, s16, $0xb8;
	[tilespmem:$0x1E400] =	vst v63  }
0x23: {  	_ = 	snop  }
0x24: {  	[tilespmem:s18], [sflag:$0x2] =	stream.indirect.gather [hbm4b:s4+s16], $0x80, s16, s16, $0xb8;
	[tilespmem:$0x1E400] =	vst v63  }
0x25: {  	_ =	swait.ge [sflag:s19], $0x4000  }
0x26: {  	[sflag:s19] =	ssyncset.done $0x0  }
0x27: {  	s24 =	simm.s32 $0x1400;
	[sflag:s19] =	ssyncadd.s32 $0xFFFFC000  }
0x28: {  	[spmem:s1] =	stream.indirect.scatter.add.f32 [tilespmem:s17], [sflag:$0x3], $0x80, s24, s16, $0xb8;
	[tilespmem:$0x1E400] =	vst v63  }
0x29: {  	_ =	swait.ge [sflag:s14], $0x4000  }
0x2a: {  	[sflag:s14] =	ssyncset.done $0x0  }
0x2b: {  	s30 =	simm.s32 $0x100;
	[sflag:s14] =	ssyncadd.s32 $0xFFFFC000  }
0x2c: {  	[tilespmem:s17], [sflag:$0x1] =	stream.indirect.gather [hbm4b:s4+s16], $0x80, s30, s16, $0xb8;
	[tilespmem:$0x1E400] =	vst v63  }
0x2d: {  	_ =	swait.ge [sflag:s20], $0x4000  }
0x2e: {  	[sflag:s20] =	ssyncset.done $0x0  }
0x2f: {  	s31 =	simm.s32 $0x1480;
	[sflag:s20] =	ssyncadd.s32 $0xFFFFC000  }
0x30: {  	[spmem:s1] =	stream.indirect.scatter.add.f32 [tilespmem:s18], [sflag:$0x3], $0x80, s31, s16, $0xb8;
	[tilespmem:$0x1E400] =	vst v63  }
0x31: {  	_ =	swait.ge [sflag:s14], $0x4000  }
0x32: {  	[sflag:s14] =	ssyncset.done $0x0  }
0x33: {  	s25 =	simm.s32 $0x180;
	s24 =	simm.s32 $0x400;
	[sflag:s14] =	ssyncadd.s32 $0xFFFFC000  }
.LBB2_2:
0x34: {  	[tilespmem:s18], [sflag:$0x2] =	stream.indirect.gather [hbm4b:s4+s16], $0x80, s25, s16, $0xb8;
	[tilespmem:$0x1E400] =	vst v63  }
0x35: {  	s25 =	smov.u32 s24  }
0x36: {  	p0 =	sne.s32 s24, $0x4800;
	s24 =	sadd.s32 $0x400, s24;
	_ =	swait.ge [sflag:s19], $0x4000  }
0x37: {  	s25 =	sshra.s32 s25, $0x2;
	[sflag:s19] =	ssyncset.done $0x0  }
0x38: {  	s26 =	sadd.s32 $0x1400, s25;
	[sflag:s19] =	ssyncadd.s32 $0xFFFFC000  }
0x39: {  	[spmem:s1] =	stream.indirect.scatter.add.f32 [tilespmem:s17], [sflag:$0x3], $0x80, s26, s16, $0xb8;
	[tilespmem:$0x1E400] =	vst v63  }
0x3a: {  	_ =	swait.ge [sflag:s14], $0x4000  }
0x3b: {  	[sflag:s14] =	ssyncset.done $0x0  }
0x3c: {  	s26 =	sadd.s32 $0x100, s25;
	[sflag:s14] =	ssyncadd.s32 $0xFFFFC000  }
0x3d: {  	[tilespmem:s17], [sflag:$0x1] =	stream.indirect.gather [hbm4b:s4+s16], $0x80, s26, s16, $0xb8;
	[tilespmem:$0x1E400] =	vst v63  }
0x3e: {  	_ =	swait.ge [sflag:s20], $0x4000  }
0x3f: {  	[sflag:s20] =	ssyncset.done $0x0  }
.Ltmp0:
0x40: {  	s26 =	sadd.s32 $0x1480, s25;
	[sflag:s20] =	ssyncadd.s32 $0xFFFFC000;
	(pc) =	sbr.rel @p0 .LBB2_2-.Ltmp0, $4  }
0x41: {  	[spmem:s1] =	stream.indirect.scatter.add.f32 [tilespmem:s18], [sflag:$0x3], $0x80, s26, s16, $0xb8;
	[tilespmem:$0x1E400] =	vst v63  }
0x42: {  	_ =	swait.ge [sflag:s14], $0x4000  }
0x43: {  	[sflag:s14] =	ssyncset.done $0x0  }
0x44: {  	s25 =	sadd.s32 $0x180, s25;
	[sflag:s14] =	ssyncadd.s32 $0xFFFFC000  }
0x45: {  	[tilespmem:s18], [sflag:$0x2] =	stream.indirect.gather [hbm4b:s4+s16], $0x80, s25, s16, $0xb8;
	[tilespmem:$0x1E400] =	vst v63  }
0x46: {  	_ =	swait.ge [sflag:s19], $0x4000  }
0x47: {  	[sflag:s19] =	ssyncset.done $0x0  }
0x48: {  	[sflag:s19] =	ssyncadd.s32 $0xFFFFC000  }
0x49: {  	[spmem:s1] =	stream.indirect.scatter.add.f32 [tilespmem:s17], [sflag:$0x3], $0x80, s21, s16, $0xb8;
	[tilespmem:$0x1E400] =	vst v63  }
0x4a: {  	_ =	swait.ge [sflag:s14], $0x4000  }
0x4b: {  	[sflag:s14] =	ssyncset.done $0x0  }
0x4c: {  	[sflag:s14] =	ssyncadd.s32 $0xFFFFC000  }
0x4d: {  	_ =	swait.ge [sflag:s20], $0x4000  }
0x4e: {  	[sflag:s20] =	ssyncset.done $0x0  }
0x4f: {  	[sflag:s20] =	ssyncadd.s32 $0xFFFFC000  }
0x50: {  	[spmem:s1] =	stream.indirect.scatter.add.f32 [tilespmem:s18], [sflag:$0x3], $0x80, s22, s16, $0xb8;
	[tilespmem:$0x1E400] =	vst v63  }
0x51: {  	_ =	swait.ge [sflag:s14], $0x4000  }
0x52: {  	[sflag:s14] =	ssyncset.done $0x0  }
0x53: {  	s24 =	simm.s32 $0x0;
	[sflag:s14] =	ssyncadd.s32 $0xFFFFC000  }
0x54: {  	[tilespmem:s24], [sflag:$0x3] =	stream.linear.gather [hbm4b:s8+s24], $0x1400, $0x38;
	[tilespmem:$0x1E400] =	vst v63  }
0x55: {  	_ =	swait.ge [sflag:s14], $0x1400  }
0x56: {  	[sflag:s14] =	ssyncset.done $0x0  }
0x57: {  	[sflag:s14] =	ssyncadd.s32 $0xFFFFEC00  }
0x58: {  	[tilespmem:s15], [sflag:$0x3] =	stream.linear.gather [hbm4b:s9+s24], $0x1400, $0x38;
	[tilespmem:$0x1E400] =	vst v63  }
0x59: {  	_ =	swait.ge [sflag:s14], $0x1400  }
0x5a: {  	[sflag:s14] =	ssyncset.done $0x0  }
0x5b: {  	[sflag:s14] =	ssyncadd.s32 $0xFFFFEC00  }
0x5c: {  	[tilespmem:s17], [sflag:$0x1] =	stream.indirect.gather [hbm4b:s4+s16], $0x80, s24, s16, $0xb8;
	[tilespmem:$0x1E400] =	vst v63  }
0x5d: {  	_ = 	snop  }
0x5e: {  	[tilespmem:s18], [sflag:$0x2] =	stream.indirect.gather [hbm4b:s4+s16], $0x80, s16, s16, $0xb8;
	[tilespmem:$0x1E400] =	vst v63  }
0x5f: {  	_ =	swait.ge [sflag:s19], $0x4000  }
0x60: {  	[sflag:s19] =	ssyncset.done $0x0  }
0x61: {  	s29 =	simm.s32 $0x1400;
	[sflag:s19] =	ssyncadd.s32 $0xFFFFC000  }
0x62: {  	[spmem:s1] =	stream.indirect.scatter.add.f32 [tilespmem:s17], [sflag:$0x3], $0x80, s29, s16, $0xb8;
	[tilespmem:$0x1E400] =	vst v63  }
0x63: {  	_ =	swait.ge [sflag:s14], $0x4000  }
0x64: {  	[sflag:s14] =	ssyncset.done $0x0  }
0x65: {  	s30 =	simm.s32 $0x100;
	[sflag:s14] =	ssyncadd.s32 $0xFFFFC000  }
0x66: {  	[tilespmem:s17], [sflag:$0x1] =	stream.indirect.gather [hbm4b:s4+s16], $0x80, s30, s16, $0xb8;
	[tilespmem:$0x1E400] =	vst v63  }
0x67: {  	_ =	swait.ge [sflag:s20], $0x4000  }
0x68: {  	[sflag:s20] =	ssyncset.done $0x0  }
0x69: {  	s31 =	simm.s32 $0x1480;
	[sflag:s20] =	ssyncadd.s32 $0xFFFFC000  }
0x6a: {  	[spmem:s1] =	stream.indirect.scatter.add.f32 [tilespmem:s18], [sflag:$0x3], $0x80, s31, s16, $0xb8;
	[tilespmem:$0x1E400] =	vst v63  }
0x6b: {  	_ =	swait.ge [sflag:s14], $0x4000  }
0x6c: {  	[sflag:s14] =	ssyncset.done $0x0  }
0x6d: {  	s25 =	simm.s32 $0x180;
	s24 =	simm.s32 $0x400;
	[sflag:s14] =	ssyncadd.s32 $0xFFFFC000  }
.LBB2_4:
0x6e: {  	[tilespmem:s18], [sflag:$0x2] =	stream.indirect.gather [hbm4b:s4+s16], $0x80, s25, s16, $0xb8;
	[tilespmem:$0x1E400] =	vst v63  }
0x6f: {  	s25 =	smov.u32 s24  }
0x70: {  	p0 =	sne.s32 s24, $0x4800;
	s24 =	sadd.s32 $0x400, s24;
	_ =	swait.ge [sflag:s19], $0x4000  }
0x71: {  	s25 =	sshra.s32 s25, $0x2;
	[sflag:s19] =	ssyncset.done $0x0  }
0x72: {  	s26 =	sadd.s32 $0x1400, s25;
	[sflag:s19] =	ssyncadd.s32 $0xFFFFC000  }
0x73: {  	[spmem:s1] =	stream.indirect.scatter.add.f32 [tilespmem:s17], [sflag:$0x3], $0x80, s26, s16, $0xb8;
	[tilespmem:$0x1E400] =	vst v63  }
0x74: {  	_ =	swait.ge [sflag:s14], $0x4000  }
0x75: {  	[sflag:s14] =	ssyncset.done $0x0  }
0x76: {  	s26 =	sadd.s32 $0x100, s25;
	[sflag:s14] =	ssyncadd.s32 $0xFFFFC000  }
0x77: {  	[tilespmem:s17], [sflag:$0x1] =	stream.indirect.gather [hbm4b:s4+s16], $0x80, s26, s16, $0xb8;
	[tilespmem:$0x1E400] =	vst v63  }
0x78: {  	_ =	swait.ge [sflag:s20], $0x4000  }
0x79: {  	[sflag:s20] =	ssyncset.done $0x0  }
.Ltmp1:
0x7a: {  	s26 =	sadd.s32 $0x1480, s25;
	[sflag:s20] =	ssyncadd.s32 $0xFFFFC000;
	(pc) =	sbr.rel @p0 .LBB2_4-.Ltmp1, $4  }
0x7b: {  	[spmem:s1] =	stream.indirect.scatter.add.f32 [tilespmem:s18], [sflag:$0x3], $0x80, s26, s16, $0xb8;
	[tilespmem:$0x1E400] =	vst v63  }
0x7c: {  	_ =	swait.ge [sflag:s14], $0x4000  }
0x7d: {  	[sflag:s14] =	ssyncset.done $0x0  }
0x7e: {  	s25 =	sadd.s32 $0x180, s25;
	[sflag:s14] =	ssyncadd.s32 $0xFFFFC000  }
0x7f: {  	[tilespmem:s18], [sflag:$0x2] =	stream.indirect.gather [hbm4b:s4+s16], $0x80, s25, s16, $0xb8;
	[tilespmem:$0x1E400] =	vst v63  }
0x80: {  	_ =	swait.ge [sflag:s19], $0x4000  }
0x81: {  	[sflag:s19] =	ssyncset.done $0x0  }
0x82: {  	[sflag:s19] =	ssyncadd.s32 $0xFFFFC000  }
0x83: {  	[spmem:s1] =	stream.indirect.scatter.add.f32 [tilespmem:s17], [sflag:$0x3], $0x80, s21, s16, $0xb8;
	[tilespmem:$0x1E400] =	vst v63  }
0x84: {  	_ =	swait.ge [sflag:s14], $0x4000  }
0x85: {  	[sflag:s14] =	ssyncset.done $0x0  }
0x86: {  	[sflag:s14] =	ssyncadd.s32 $0xFFFFC000  }
0x87: {  	_ =	swait.ge [sflag:s20], $0x4000  }
0x88: {  	[sflag:s20] =	ssyncset.done $0x0  }
0x89: {  	[sflag:s20] =	ssyncadd.s32 $0xFFFFC000  }
0x8a: {  	[spmem:s1] =	stream.indirect.scatter.add.f32 [tilespmem:s18], [sflag:$0x3], $0x80, s22, s16, $0xb8;
	[tilespmem:$0x1E400] =	vst v63  }
0x8b: {  	_ =	swait.ge [sflag:s14], $0x4000  }
0x8c: {  	s23 =	sadd.s32 $0x1, s23;
	[sflag:s14] =	ssyncset.done $0x0  }
0x8d: {  	p0 =	sne.s32 s23, s11;
	[sflag:s14] =	ssyncadd.s32 $0xFFFFC000  }
.Ltmp2:
0x8e: {  	[bflag:$0x0] =	sbarrier.arrive $0xFFFF;
	(pc) =	sbr.rel @p0 .LBB2_1-.Ltmp2, $4  }
0x8f: {  	[hbm:s10], [sflag:s12] =	dma.local [spmem:s13], $0x2780  }
0x90: {  	_ =	swait.ge [sflag:s14], $0x2780  }
0x91: {  	[sflag:s14] =	ssyncset.done $0x0  }
0x92: {  	[sflag:s14] =	ssyncadd.s32 $0xFFFFD880  }
0x93: {  	_ =	sfence.sel $0x180000  }
0x94: {  	[bflag:$0x0] =	sbarrier.arrive $0xFFFF  }
0x95: {  	p0 =	sne.s32 s2, $0x0;
	_ =	strace $0x9000004A  }
0x96: {  	s0 =	sadd.s32 @!p0 $0x100000, s0;
	[bflag:$0x2] =	sbarrier.arrive $0xFFFF  }
0x97: {  	[sflag:s0] =	ssyncadd.tile.s32 @!p0 $0x1;
	_ =	shalt  }
.Lfunc_end2:
_tile_overlayer_lowered:
.L_overlay_start_2:
0x98: {  	(tag) =	ssettag $0x2  }
0x99: {  	s0 =	rddreg [dreg:$0x0];
	s2 =	stileid.u32  }
0x9a: {  	s1 =	rddreg [dreg:$0x1];
	p0 =	sne.s32 s2, $0x0  }
0x9b: {  	s3 =	rddreg [dreg:$0x2];
	[bflag:$0x3] =	sbarrier.arrive $0xFFFF;
	s2 =	simm.s32 @!p0 $0x1C03  }
0x9c: {  	[timem:s3], [sflag:s2] =	dma.local @!p0 [hbm:s0], s1  }
0x9d: {  	s0 =	simm.s32 @!p0 $0x3  }
0x9e: {  	_ =	swait.ge @!p0 [sflag:s0], s1  }
0x9f: {  	s1 =	ssub.s32 @!p0 $0x0, s1;
	[sflag:s0] =	ssyncset.done @!p0 $0x0  }
0xa0: {  	[sflag:s0] =	ssyncadd.s32 @!p0 s1  }
0xa1: {  	[bflag:$0x3] =	sbarrier.arrive $0xFFFF  }
0xa2: {  	_ =	shalt  }

// kernel: kernel.14.cloned.1.call-start
scs
__scs_entry_jumppad:
0x0: {  	(pc) =	sbr.rel $0x88, $3  }
0x1: {  	(tag) =	ssettag $0x0;
	lr =	simm.s32 $0x1  }
0x2: {  	[smem:$0x3F9B] =	sst lr;
	_ =	strace $0xD0000000  }
0x3: {  	_ = 	snop  }
0x4: {  	_ = 	snop  }
0x5: {  	_ = 	snop  }
0x6: {  	_ = 	snop  }
0x7: {  	_ = 	snop  }
__scs_overlays_trampoline_lowered:
0x8: {  	[smem:$0x3FAA] =	sst s0  }
0x9: {  	[smem:$0x3FAB] =	sst s1  }
0xa: {  	[smem:$0x3FAC] =	sst s2  }
0xb: {  	[smem:$0x3FAD] =	sst s3  }
0xc: {  	[smem:$0x3FAE] =	sst s4  }
0xd: {  	[smem:$0x3FAF] =	sst s5  }
0xe: {  	[smem:$0x3FB0] =	sst s6  }
0xf: {  	[smem:$0x3FB1] =	sst s7  }
0x10: {  	[smem:$0x3FB2] =	sst s8  }
0x11: {  	[smem:$0x3FB3] =	sst s9;
	s0 =	simm.s32 @!p0 $0x0  }
0x12: {  	s1 =	sld [smem:$0x3F99];
	s0 =	simm.s32 @p0 $0x1  }
0x13: {  	[smem:$0x3FB4] =	sst s0;
	s0 =	simm.s32 @!p1 $0x0  }
0x14: {  	s2 =	sld [smem:$0x3F98];
	s0 =	simm.s32 @p1 $0x1  }
0x15: {  	[smem:$0x3FB5] =	sst s0;
	s0 =	simm.s32 @!p2 $0x0  }
0x16: {  	s3 =	sld [smem:$0x3FDB];
	s0 =	simm.s32 @p2 $0x1  }
0x17: {  	s4 =	simm.s32 $0x1BF5;
	[smem:$0x3FB7] =	sst s0  }
0x18: {  	s0 =	sld [smem:$0x3F9A];
	_ =	swait.ge [sflag:s4], $0x0  }
0x19: {  	s7 =	sld [smem:$0x3F9B]  }
0x1a: {  	s8 =	sadd.s32 $0xFFFFE003, lr  }
0x1b: {  	s9 =	sadd.s32 $0xFFFFFEF7, lr;
	s5 =	simm.s32 $0xFFFFFFFF;
	p2 =	slt.u32 s8, $0xFFFFF086  }
0x1c: {  	p1 =	slt.u32 s9, $0xF7A;
	s5 =	simm.s32 @!p2 $0x0  }
0x1d: {  	s5 =	simm.s32 @p1 $0x1;
	p0 =	seq.s32 s7, s2  }
0x1e: {  	s7 =	smul.u32 @!p0 $0xF7A, s2;
	p2 =	seq.s32 @!p0 s5, $0x0  }
0x1f: {  	s9 =	smul.u32 $0xF7A, s1;
	s8 =	simm.s32 @!p0 $0x1BF5;
	p2 =	por !p2, p0  }
0x20: {  	[sflag:s8] =	ssyncset.s32 @!p0 $0xFFFFF086;
	s6 =	sadd.s32 @!p0 s3, s7;
	s7 =	simm.s32 @!p0 $0x108  }
0x21: {  	s3 =	sadd.s32 s3, s9;
	s6 =	sadd.s32 @!p0 $0x88, s6;
	s7 =	simm.s32 @p2 $0x1082  }
0x22: {  	[simem:s7], [sflag:s8] =	dma.local @!p0 [hbm:s6], $0xF7A  }
0x23: {  	s9 =	sor.u32 $0xD0000000, s2;
	s6 =	simm.s32 $0x108;
	_ =	swait.ge @!p0 [sflag:s8], $0x0  }
0x24: {  	s3 =	sadd.s32 $0x88, s3;
	s6 =	simm.s32 @!p1 $0x1082;
	[sflag:s4] =	ssyncset.s32 $0xFFFFF086  }
0x25: {  	[simem:s6], [sflag:s4] =	dma.local [hbm:s3], $0xF7A  }
0x26: {  	[smem:$0x3F9B] =	sst s1;
	(tag) =	ssettag s2;
	_ =	strace s9  }
0x27: {  	s1 =	sld [smem:$0x3FAB]  }
0x28: {  	s2 =	sld [smem:$0x3FAC]  }
0x29: {  	s4 =	sld [smem:$0x3FAE]  }
0x2a: {  	p0 =	seq.s32 s5, $0x0;
	s5 =	sld [smem:$0x3FAF]  }
0x2b: {  	s6 =	sld [smem:$0x3FB0]  }
0x2c: {  	s7 =	sld [smem:$0x3FB1]  }
0x2d: {  	s3 =	simm.s32 $0x108;
	s8 =	sld [smem:$0x3FB2]  }
0x2e: {  	s3 =	simm.s32 @!p0 $0x1082;
	s9 =	sld [smem:$0x3FB3]  }
0x2f: {  	lr =	sadd.s32 s0, s3;
	s0 =	sld [smem:$0x3FAA]  }
0x30: {  	s3 =	sld [smem:$0x3FAD]  }
0x31: {  	[smem:$0x3FB6] =	sst s10  }
0x32: {  	s10 =	sld [smem:$0x3FB4];
	_ =	sdelay $0x3  }
0x33: {  	p0 =	seq.s32 s10, $0x1;
	s10 =	sld [smem:$0x3FB6];
	_ =	sdelay $0x3  }
0x34: {  	[smem:$0x3FB6] =	sst s10  }
0x35: {  	s10 =	sld [smem:$0x3FB5];
	_ =	sdelay $0x3  }
0x36: {  	p1 =	seq.s32 s10, $0x1;
	s10 =	sld [smem:$0x3FB6];
	_ =	sdelay $0x3  }
0x37: {  	[smem:$0x3FB6] =	sst s10  }
0x38: {  	s10 =	sld [smem:$0x3FB7]  }
0x39: {  	_ = 	snop;
	(pc) =	sbr.ind lr, $3  }
0x3a: {  	_ = 	snop  }
0x3b: {  	_ = 	snop  }
0x3c: {  	p2 =	seq.s32 s10, $0x1;
	s10 =	sld [smem:$0x3FB6]  }
0x3d: {  	_ =	shalt  }
0x3e: {  	_ =	shalt  }
0x3f: {  	_ =	shalt  }
0x40: {  	_ =	shalt  }
0x41: {  	_ =	shalt  }
0x42: {  	_ =	shalt  }
0x43: {  	_ =	shalt  }
0x44: {  	_ =	shalt  }
0x45: {  	_ =	shalt  }
0x46: {  	_ =	shalt  }
0x47: {  	_ =	shalt  }
0x48: {  	_ =	shalt  }
0x49: {  	_ =	shalt  }
0x4a: {  	_ =	shalt  }
0x4b: {  	_ =	shalt  }
0x4c: {  	_ =	shalt  }
0x4d: {  	_ =	shalt  }
0x4e: {  	_ =	shalt  }
0x4f: {  	_ =	shalt  }
0x50: {  	_ =	shalt  }
0x51: {  	_ =	shalt  }
0x52: {  	_ =	shalt  }
0x53: {  	_ =	shalt  }
0x54: {  	_ =	shalt  }
0x55: {  	_ =	shalt  }
0x56: {  	_ =	shalt  }
0x57: {  	_ =	shalt  }
0x58: {  	_ =	shalt  }
0x59: {  	_ =	shalt  }
0x5a: {  	_ =	shalt  }
0x5b: {  	_ =	shalt  }
0x5c: {  	_ =	shalt  }
0x5d: {  	_ =	shalt  }
0x5e: {  	_ =	shalt  }
0x5f: {  	_ =	shalt  }
0x60: {  	_ =	shalt  }
0x61: {  	_ =	shalt  }
0x62: {  	_ =	shalt  }
0x63: {  	_ =	shalt  }
0x64: {  	_ =	shalt  }
0x65: {  	_ =	shalt  }
0x66: {  	_ =	shalt  }
0x67: {  	_ =	shalt  }
0x68: {  	_ =	shalt  }
0x69: {  	_ =	shalt  }
0x6a: {  	_ =	shalt  }
0x6b: {  	_ =	shalt  }
0x6c: {  	_ =	shalt  }
0x6d: {  	_ =	shalt  }
0x6e: {  	_ =	shalt  }
0x6f: {  	_ =	shalt  }
0x70: {  	_ =	shalt  }
0x71: {  	_ =	shalt  }
0x72: {  	_ =	shalt  }
0x73: {  	_ =	shalt  }
0x74: {  	_ =	shalt  }
0x75: {  	_ =	shalt  }
0x76: {  	_ =	shalt  }
0x77: {  	_ =	shalt  }
0x78: {  	_ =	shalt  }
0x79: {  	_ =	shalt  }
0x7a: {  	_ =	shalt  }
0x7b: {  	_ =	shalt  }
0x7c: {  	_ =	shalt  }
0x7d: {  	_ =	shalt  }
0x7e: {  	_ =	shalt  }
0x7f: {  	_ =	shalt  }
0x80: {  	_ =	shalt  }
0x81: {  	_ =	shalt  }
0x82: {  	_ =	shalt  }
0x83: {  	_ =	shalt  }
0x84: {  	_ =	shalt  }
0x85: {  	_ =	shalt  }
0x86: {  	_ =	shalt  }
0x87: {  	_ =	shalt  }
.Lfunc_end0:
.L_simem_size_0:
called_computation.2_lowered:
.L_overlay_start_0:
0x88: {  	s2 =	sld [smem:$0x3FD9]  }
0x89: {  	s3 =	sld [smem:$0x3FFE];
	_ =	sdelay $0x1  }
0x8a: {  	s1 =	srdreg.scid  }
0x8b: {  	s0 =	sand.u32 $0x1, s1  }
0x8c: {  	s17 =	sshll.u32 s0, $0xA;
	s2 =	sadd.s32 s3, s2  }
0x8d: {  	s2 =	sadd.s32 s2, s17  }
0x8e: {  	[smem:$0x3FC2] =	sst s2  }
0x8f: {  	_ = 	snop  }
0x90: {  	s2 =	sld [smem:$0x3FD0];
	(tm) =	ssettm $0x1  }
0x91: {  	s18 =	sld [smem:$0x3FFB];
	_ =	sdelay $0x3  }
0x92: {  	_ =	strace s18  }
0x93: {  	s3 =	sld [smem:$0x3FFC];
	_ =	sdelay $0x3  }
0x94: {  	_ =	strace s3  }
0x95: {  	s3 =	sld [smem:$0x3FFD];
	_ =	sdelay $0x3  }
0x96: {  	_ =	strace s3  }
0x97: {  	_ =	strace $0x8FFFFFFF  }
0x98: {  	s19 =	sld [smem:$0x3FDB];
	_ =	sdelay $0x1  }
0x99: {  	s4 =	simm.s32 $_scs_section_size  }
0x9a: {  	s5 =	simm.s32 $_size__tile_overlayer_lowered;
	s6 =	simm.s32 $_tile_overlayer_lowered  }
0x9b: {  	s22 =	simm.s32 $0x1BFF;
	s21 =	sshll.u32 s6, $0x1;
	s3 =	sadd.s32 s4, s19  }
0x9c: {  	s7 =	simm.s32 $0x0;
	s20 =	sshll.u32 s5, $0x1;
	s5 =	sadd.s32 s21, s3  }
0x9d: {  	[timem:s7], [sflag:s22] =	dma.local [hbm:s5], s20  }
0x9e: {  	_ =	swait.ge [sflag:s22], s20  }
0x9f: {  	s4 =	ssub.s32 $0x0, s20;
	[sflag:s22] =	ssyncset.done $0x0  }
0xa0: {  	[sflag:s22] =	ssyncadd.s32 s4;
	_ =	sdelay $0x1  }
0xa1: {  	s23 =	simm.s32 $0x1B8B  }
0xa2: {  	_ =	swait.ge [sflag:s23], $0x1  }
0xa3: {  	[sflag:s23] =	ssyncset.done $0x0  }
0xa4: {  	s25 =	simm.s32 $0x1B8E;
	s24 =	sld [smem:$0x3FFE];
	[sflag:s23] =	ssyncadd.s32 $0xFFFFFFFF  }
0xa5: {  	s26 =	simm.s32 $execute0_lowered;
	[smem:$0x3FD2] =	sst s25  }
0xa6: {  	s5 =	sshll.u32 s26, $0x1;
	_ =	strace $0x8000004C;
	[dreg:$0x1] =	wrdreg $0xFFFFFFFF  }
0xa7: {  	s28 =	simm.s32 $_size_execute0_lowered;
	s3 =	sadd.s32 s3, s5;
	[dreg:$0x0] =	wrdreg $0x0  }
0xa8: {  	s5 =	sshll.u32 s28, $0x1;
	[dreg:$0x2] =	wrdreg s3  }
0xa9: {  	[dreg:$0x3] =	wrdreg s5  }
0xaa: {  	[dreg:$0x4] =	wrdreg $0xC0  }
0xab: {  	_ =	task [dreg:s7], $0x5FFFF  }
0xac: {  	[dreg:$0x1] =	wrdreg $0xFFFFFFFF  }
0xad: {  	[dreg:$0x0] =	wrdreg $0x60  }
0xae: {  	[dreg:$0x2] =	wrdreg s24  }
0xaf: {  	[dreg:$0x3] =	wrdreg s2  }
0xb0: {  	[dreg:$0x4] =	wrdreg $0xA8000  }
0xb1: {  	[dreg:$0x5] =	wrdreg $0x9  }
0xb2: {  	_ =	task.clear_ibuf [dreg:s7], $0x6FFFF;
	_ =	strace $0x9000004C  }
0xb3: {  	s29 =	simm.s32 $0x9;
	_ =	strace $0x8000004E  }
0xb4: {  	_ =	swait.ge [sflag:s29], $0x1  }
0xb5: {  	[sflag:s29] =	ssyncadd.s32 $0xFFFFFFFF  }
0xb6: {  	_ =	strace $0x9000004E  }
0xb7: {  	_ =	sfence  }
0xb8: {  	s30 =	sld [smem:$0x0];
	_ =	sdelay $0x2  }
0xb9: {  	s31 =	sshll.u32 s1, $0xD;
	s1 =	sshrl.u32 s1, $0x2  }
0xba: {  	s3 =	sand.u32 $0x4000, s31;
	s1 =	sadd.s32 s1, s30  }
0xbb: {  	s0 =	sor.u32 s3, s0;
	s1 =	sshll.u32 s1, $0x11  }
0xbc: {  	s0 =	sor.u32 s1, s0  }
0xbd: {  	s0 =	sadd.s32 $0x8F2B, s0  }
0xbe: {  	[sflag:s0] =	ssyncadd.remote.s32 $0x1  }
0xbf: {  	_ =	sfence.sel $0xFFFF  }
0xc0: {  	[dreg:$0x0] =	wrdreg $0xFFFFFFFF;
	(pc) =	sbr.abs _section_cstart, $3  }
0xc1: {  	[dreg:$0x1] =	wrdreg $0xFFFFFFFF  }
0xc2: {  	_ =	task.clear_ibuf [dreg:s7], $0x2FFFF;
	_ =	strace $0x9FFFFFFF  }
0xc3: {  	(tm) =	ssettm $0x7FFFFFFF  }
tec
execute0_lowered:
.L_overlay_start_1:
0x0: {  	(tag) =	ssettag $0x1  }
0x1: {  	s5 =	rddreg [dreg:$0x0]  }
0x2: {  	s9 =	rddreg [dreg:$0x1]  }
0x3: {  	s1 =	rddreg [dreg:$0x2]  }
0x4: {  	s2 =	srdreg.scid;
	s0 =	rddreg [dreg:$0x3]  }
0x5: {  	s3 =	simm.s32 $0x0;
	s17 =	simm.s32 $0x2800;
	s18 =	simm.s32 $0x6800  }
0x6: {  	s19 =	simm.s32 $0x1;
	s20 =	simm.s32 $0x2;
	s21 =	simm.s32 $0x2700  }
0x7: {  	s22 =	simm.s32 $0x2780;
	s11 =	sand.u32 $0x1, s2;
	s2 =	stileid.u32  }
0x8: {  	s23 =	simm.s32 $0x0;
	[smem:$0x7FF] =	sst s3;
	s6 =	smul.u32 $0x13C000, s11  }
0x9: {  	s4 =	sadd.s32 $0xC200, s5;
	s8 =	sadd.s32 $0x2200, s5;
	s7 =	smul.u32 $0x13C00, s2  }
0xa: {  	s12 =	sadd.s32 $0x33A00, s5;
	_ =	strace $0x8000004D;
	s13 =	smul.u32 $0x4F000, s2  }
0xb: {  	s26 =	sshll.u32 s11, $0x4;
	s10 =	ssub.s32 $0x2, s11;
	s28 =	smul.u32 $0x2780, s2  }
0xc: {  	p0 =	sne.s32 s11, $0x0;
	s31 =	sshll.u32 s2, $0x6;
	s14 =	sshrl.u32 s10, $0x1  }
0xd: {  	s6 =	sadd.s32 s7, s6;
	s7 =	sor.u32 s2, s26;
	s14 =	ssub.s32 s10, s14  }
0xe: {  	s29 =	sshrl.u32 s13, $0x2;
	s6 =	sshrl.u32 s6, $0x3;
	s15 =	smul.u32 $0x2800, s7  }
0xf: {  	s7 =	smul.u32 $0x500, s7;
	s13 =	sadd.s32 s29, s1;
	s11 =	smax.u32 s14, $0x1  }
0x10: {  	s14 =	simm.s32 $0x3;
	s16 =	sadd.s32 s6, s5;
	s5 =	sadd.s32 s4, s28  }
0x11: {  	s13 =	sshrl.u32 s13, $0x3;
	s30 =	sshrl.u32 s15, $0x3;
	s6 =	sadd.s32 s8, s7  }
0x12: {  	s7 =	sadd.s32 s9, s7;
	s5 =	smov.u32 @p0 s12;
	s10 =	sadd.s32 $0x280, s30  }
0x13: {  	s12 =	sor.u32 $0x1C03, s31;
	s15 =	simm.s32 $0x1400;
	s8 =	sadd.s32 s8, s10  }
0x14: {  	s9 =	sadd.s32 s9, s10;
	s10 =	sadd.s32 $0x36200, s16;
	s16 =	simm.s32 $0x80  }
.LBB2_1:
0x15: {  	[spmem:s13], [sflag:s12] =	dma.local [hbm:s5], $0x2780  }
0x16: {  	_ =	swait.ge [sflag:s14], $0x2780  }
0x17: {  	[sflag:s14] =	ssyncset.done $0x0  }
0x18: {  	[sflag:s14] =	ssyncadd.s32 $0xFFFFD880  }
0x19: {  	[bflag:$0x0] =	sbarrier.arrive $0xFFFF  }
0x1a: {  	[tilespmem:s3], [sflag:$0x3] =	stream.linear.gather [hbm4b:s6+s3], $0x1400, $0x38;
	[tilespmem:$0x1E400] =	vst v63  }
0x1b: {  	_ =	swait.ge [sflag:s14], $0x1400  }
0x1c: {  	[sflag:s14] =	ssyncset.done $0x0  }
0x1d: {  	[sflag:s14] =	ssyncadd.s32 $0xFFFFEC00  }
0x1e: {  	[tilespmem:s15], [sflag:$0x3] =	stream.linear.gather [hbm4b:s7+s3], $0x1400, $0x38;
	[tilespmem:$0x1E400] =	vst v63  }
0x1f: {  	_ =	swait.ge [sflag:s14], $0x1400  }
0x20: {  	[sflag:s14] =	ssyncset.done $0x0  }
0x21: {  	[sflag:s14] =	ssyncadd.s32 $0xFFFFEC00  }
0x22: {  	[tilespmem:s17], [sflag:$0x1] =	stream.indirect.gather [hbm4b:s4+s16], $0x80, s3, s16, $0xb8;
	[tilespmem:$0x1E400] =	vst v63  }
0x23: {  	_ = 	snop  }
0x24: {  	[tilespmem:s18], [sflag:$0x2] =	stream.indirect.gather [hbm4b:s4+s16], $0x80, s16, s16, $0xb8;
	[tilespmem:$0x1E400] =	vst v63  }
0x25: {  	_ =	swait.ge [sflag:s19], $0x4000  }
0x26: {  	[sflag:s19] =	ssyncset.done $0x0  }
0x27: {  	s24 =	simm.s32 $0x1400;
	[sflag:s19] =	ssyncadd.s32 $0xFFFFC000  }
0x28: {  	[spmem:s1] =	stream.indirect.scatter.add.f32 [tilespmem:s17], [sflag:$0x3], $0x80, s24, s16, $0xb8;
	[tilespmem:$0x1E400] =	vst v63  }
0x29: {  	_ =	swait.ge [sflag:s14], $0x4000  }
0x2a: {  	[sflag:s14] =	ssyncset.done $0x0  }
0x2b: {  	s30 =	simm.s32 $0x100;
	[sflag:s14] =	ssyncadd.s32 $0xFFFFC000  }
0x2c: {  	[tilespmem:s17], [sflag:$0x1] =	stream.indirect.gather [hbm4b:s4+s16], $0x80, s30, s16, $0xb8;
	[tilespmem:$0x1E400] =	vst v63  }
0x2d: {  	_ =	swait.ge [sflag:s20], $0x4000  }
0x2e: {  	[sflag:s20] =	ssyncset.done $0x0  }
0x2f: {  	s31 =	simm.s32 $0x1480;
	[sflag:s20] =	ssyncadd.s32 $0xFFFFC000  }
0x30: {  	[spmem:s1] =	stream.indirect.scatter.add.f32 [tilespmem:s18], [sflag:$0x3], $0x80, s31, s16, $0xb8;
	[tilespmem:$0x1E400] =	vst v63  }
0x31: {  	_ =	swait.ge [sflag:s14], $0x4000  }
0x32: {  	[sflag:s14] =	ssyncset.done $0x0  }
0x33: {  	s25 =	simm.s32 $0x180;
	s24 =	simm.s32 $0x400;
	[sflag:s14] =	ssyncadd.s32 $0xFFFFC000  }
.LBB2_2:
0x34: {  	[tilespmem:s18], [sflag:$0x2] =	stream.indirect.gather [hbm4b:s4+s16], $0x80, s25, s16, $0xb8;
	[tilespmem:$0x1E400] =	vst v63  }
0x35: {  	s25 =	smov.u32 s24  }
0x36: {  	p0 =	sne.s32 s24, $0x4800;
	s24 =	sadd.s32 $0x400, s24;
	_ =	swait.ge [sflag:s19], $0x4000  }
0x37: {  	s25 =	sshra.s32 s25, $0x2;
	[sflag:s19] =	ssyncset.done $0x0  }
0x38: {  	s26 =	sadd.s32 $0x1400, s25;
	[sflag:s19] =	ssyncadd.s32 $0xFFFFC000  }
0x39: {  	[spmem:s1] =	stream.indirect.scatter.add.f32 [tilespmem:s17], [sflag:$0x3], $0x80, s26, s16, $0xb8;
	[tilespmem:$0x1E400] =	vst v63  }
0x3a: {  	_ =	swait.ge [sflag:s14], $0x4000  }
0x3b: {  	[sflag:s14] =	ssyncset.done $0x0  }
0x3c: {  	s26 =	sadd.s32 $0x100, s25;
	[sflag:s14] =	ssyncadd.s32 $0xFFFFC000  }
0x3d: {  	[tilespmem:s17], [sflag:$0x1] =	stream.indirect.gather [hbm4b:s4+s16], $0x80, s26, s16, $0xb8;
	[tilespmem:$0x1E400] =	vst v63  }
0x3e: {  	_ =	swait.ge [sflag:s20], $0x4000  }
0x3f: {  	[sflag:s20] =	ssyncset.done $0x0  }
.Ltmp0:
0x40: {  	s26 =	sadd.s32 $0x1480, s25;
	[sflag:s20] =	ssyncadd.s32 $0xFFFFC000;
	(pc) =	sbr.rel @p0 .LBB2_2-.Ltmp0, $4  }
0x41: {  	[spmem:s1] =	stream.indirect.scatter.add.f32 [tilespmem:s18], [sflag:$0x3], $0x80, s26, s16, $0xb8;
	[tilespmem:$0x1E400] =	vst v63  }
0x42: {  	_ =	swait.ge [sflag:s14], $0x4000  }
0x43: {  	[sflag:s14] =	ssyncset.done $0x0  }
0x44: {  	s25 =	sadd.s32 $0x180, s25;
	[sflag:s14] =	ssyncadd.s32 $0xFFFFC000  }
0x45: {  	[tilespmem:s18], [sflag:$0x2] =	stream.indirect.gather [hbm4b:s4+s16], $0x80, s25, s16, $0xb8;
	[tilespmem:$0x1E400] =	vst v63  }
0x46: {  	_ =	swait.ge [sflag:s19], $0x4000  }
0x47: {  	[sflag:s19] =	ssyncset.done $0x0  }
0x48: {  	[sflag:s19] =	ssyncadd.s32 $0xFFFFC000  }
0x49: {  	[spmem:s1] =	stream.indirect.scatter.add.f32 [tilespmem:s17], [sflag:$0x3], $0x80, s21, s16, $0xb8;
	[tilespmem:$0x1E400] =	vst v63  }
0x4a: {  	_ =	swait.ge [sflag:s14], $0x4000  }
0x4b: {  	[sflag:s14] =	ssyncset.done $0x0  }
0x4c: {  	[sflag:s14] =	ssyncadd.s32 $0xFFFFC000  }
0x4d: {  	_ =	swait.ge [sflag:s20], $0x4000  }
0x4e: {  	[sflag:s20] =	ssyncset.done $0x0  }
0x4f: {  	[sflag:s20] =	ssyncadd.s32 $0xFFFFC000  }
0x50: {  	[spmem:s1] =	stream.indirect.scatter.add.f32 [tilespmem:s18], [sflag:$0x3], $0x80, s22, s16, $0xb8;
	[tilespmem:$0x1E400] =	vst v63  }
0x51: {  	_ =	swait.ge [sflag:s14], $0x4000  }
0x52: {  	[sflag:s14] =	ssyncset.done $0x0  }
0x53: {  	s24 =	simm.s32 $0x0;
	[sflag:s14] =	ssyncadd.s32 $0xFFFFC000  }
0x54: {  	[tilespmem:s24], [sflag:$0x3] =	stream.linear.gather [hbm4b:s8+s24], $0x1400, $0x38;
	[tilespmem:$0x1E400] =	vst v63  }
0x55: {  	_ =	swait.ge [sflag:s14], $0x1400  }
0x56: {  	[sflag:s14] =	ssyncset.done $0x0  }
0x57: {  	[sflag:s14] =	ssyncadd.s32 $0xFFFFEC00  }
0x58: {  	[tilespmem:s15], [sflag:$0x3] =	stream.linear.gather [hbm4b:s9+s24], $0x1400, $0x38;
	[tilespmem:$0x1E400] =	vst v63  }
0x59: {  	_ =	swait.ge [sflag:s14], $0x1400  }
0x5a: {  	[sflag:s14] =	ssyncset.done $0x0  }
0x5b: {  	[sflag:s14] =	ssyncadd.s32 $0xFFFFEC00  }
0x5c: {  	[tilespmem:s17], [sflag:$0x1] =	stream.indirect.gather [hbm4b:s4+s16], $0x80, s24, s16, $0xb8;
	[tilespmem:$0x1E400] =	vst v63  }
0x5d: {  	_ = 	snop  }
0x5e: {  	[tilespmem:s18], [sflag:$0x2] =	stream.indirect.gather [hbm4b:s4+s16], $0x80, s16, s16, $0xb8;
	[tilespmem:$0x1E400] =	vst v63  }
0x5f: {  	_ =	swait.ge [sflag:s19], $0x4000  }
0x60: {  	[sflag:s19] =	ssyncset.done $0x0  }
0x61: {  	s29 =	simm.s32 $0x1400;
	[sflag:s19] =	ssyncadd.s32 $0xFFFFC000  }
0x62: {  	[spmem:s1] =	stream.indirect.scatter.add.f32 [tilespmem:s17], [sflag:$0x3], $0x80, s29, s16, $0xb8;
	[tilespmem:$0x1E400] =	vst v63  }
0x63: {  	_ =	swait.ge [sflag:s14], $0x4000  }
0x64: {  	[sflag:s14] =	ssyncset.done $0x0  }
0x65: {  	s30 =	simm.s32 $0x100;
	[sflag:s14] =	ssyncadd.s32 $0xFFFFC000  }
0x66: {  	[tilespmem:s17], [sflag:$0x1] =	stream.indirect.gather [hbm4b:s4+s16], $0x80, s30, s16, $0xb8;
	[tilespmem:$0x1E400] =	vst v63  }
0x67: {  	_ =	swait.ge [sflag:s20], $0x4000  }
0x68: {  	[sflag:s20] =	ssyncset.done $0x0  }
0x69: {  	s31 =	simm.s32 $0x1480;
	[sflag:s20] =	ssyncadd.s32 $0xFFFFC000  }
0x6a: {  	[spmem:s1] =	stream.indirect.scatter.add.f32 [tilespmem:s18], [sflag:$0x3], $0x80, s31, s16, $0xb8;
	[tilespmem:$0x1E400] =	vst v63  }
0x6b: {  	_ =	swait.ge [sflag:s14], $0x4000  }
0x6c: {  	[sflag:s14] =	ssyncset.done $0x0  }
0x6d: {  	s25 =	simm.s32 $0x180;
	s24 =	simm.s32 $0x400;
	[sflag:s14] =	ssyncadd.s32 $0xFFFFC000  }
.LBB2_4:
0x6e: {  	[tilespmem:s18], [sflag:$0x2] =	stream.indirect.gather [hbm4b:s4+s16], $0x80, s25, s16, $0xb8;
	[tilespmem:$0x1E400] =	vst v63  }
0x6f: {  	s25 =	smov.u32 s24  }
0x70: {  	p0 =	sne.s32 s24, $0x4800;
	s24 =	sadd.s32 $0x400, s24;
	_ =	swait.ge [sflag:s19], $0x4000  }
0x71: {  	s25 =	sshra.s32 s25, $0x2;
	[sflag:s19] =	ssyncset.done $0x0  }
0x72: {  	s26 =	sadd.s32 $0x1400, s25;
	[sflag:s19] =	ssyncadd.s32 $0xFFFFC000  }
0x73: {  	[spmem:s1] =	stream.indirect.scatter.add.f32 [tilespmem:s17], [sflag:$0x3], $0x80, s26, s16, $0xb8;
	[tilespmem:$0x1E400] =	vst v63  }
0x74: {  	_ =	swait.ge [sflag:s14], $0x4000  }
0x75: {  	[sflag:s14] =	ssyncset.done $0x0  }
0x76: {  	s26 =	sadd.s32 $0x100, s25;
	[sflag:s14] =	ssyncadd.s32 $0xFFFFC000  }
0x77: {  	[tilespmem:s17], [sflag:$0x1] =	stream.indirect.gather [hbm4b:s4+s16], $0x80, s26, s16, $0xb8;
	[tilespmem:$0x1E400] =	vst v63  }
0x78: {  	_ =	swait.ge [sflag:s20], $0x4000  }
0x79: {  	[sflag:s20] =	ssyncset.done $0x0  }
.Ltmp1:
0x7a: {  	s26 =	sadd.s32 $0x1480, s25;
	[sflag:s20] =	ssyncadd.s32 $0xFFFFC000;
	(pc) =	sbr.rel @p0 .LBB2_4-.Ltmp1, $4  }
0x7b: {  	[spmem:s1] =	stream.indirect.scatter.add.f32 [tilespmem:s18], [sflag:$0x3], $0x80, s26, s16, $0xb8;
	[tilespmem:$0x1E400] =	vst v63  }
0x7c: {  	_ =	swait.ge [sflag:s14], $0x4000  }
0x7d: {  	[sflag:s14] =	ssyncset.done $0x0  }
0x7e: {  	s25 =	sadd.s32 $0x180, s25;
	[sflag:s14] =	ssyncadd.s32 $0xFFFFC000  }
0x7f: {  	[tilespmem:s18], [sflag:$0x2] =	stream.indirect.gather [hbm4b:s4+s16], $0x80, s25, s16, $0xb8;
	[tilespmem:$0x1E400] =	vst v63  }
0x80: {  	_ =	swait.ge [sflag:s19], $0x4000  }
0x81: {  	[sflag:s19] =	ssyncset.done $0x0  }
0x82: {  	[sflag:s19] =	ssyncadd.s32 $0xFFFFC000  }
0x83: {  	[spmem:s1] =	stream.indirect.scatter.add.f32 [tilespmem:s17], [sflag:$0x3], $0x80, s21, s16, $0xb8;
	[tilespmem:$0x1E400] =	vst v63  }
0x84: {  	_ =	swait.ge [sflag:s14], $0x4000  }
0x85: {  	[sflag:s14] =	ssyncset.done $0x0  }
0x86: {  	[sflag:s14] =	ssyncadd.s32 $0xFFFFC000  }
0x87: {  	_ =	swait.ge [sflag:s20], $0x4000  }
0x88: {  	[sflag:s20] =	ssyncset.done $0x0  }
0x89: {  	[sflag:s20] =	ssyncadd.s32 $0xFFFFC000  }
0x8a: {  	[spmem:s1] =	stream.indirect.scatter.add.f32 [tilespmem:s18], [sflag:$0x3], $0x80, s22, s16, $0xb8;
	[tilespmem:$0x1E400] =	vst v63  }
0x8b: {  	_ =	swait.ge [sflag:s14], $0x4000  }
0x8c: {  	s23 =	sadd.s32 $0x1, s23;
	[sflag:s14] =	ssyncset.done $0x0  }
0x8d: {  	p0 =	sne.s32 s23, s11;
	[sflag:s14] =	ssyncadd.s32 $0xFFFFC000  }
.Ltmp2:
0x8e: {  	[bflag:$0x0] =	sbarrier.arrive $0xFFFF;
	(pc) =	sbr.rel @p0 .LBB2_1-.Ltmp2, $4  }
0x8f: {  	[hbm:s10], [sflag:s12] =	dma.local [spmem:s13], $0x2780  }
0x90: {  	_ =	swait.ge [sflag:s14], $0x2780  }
0x91: {  	[sflag:s14] =	ssyncset.done $0x0  }
0x92: {  	[sflag:s14] =	ssyncadd.s32 $0xFFFFD880  }
0x93: {  	_ =	sfence.sel $0x180000  }
0x94: {  	[bflag:$0x0] =	sbarrier.arrive $0xFFFF  }
0x95: {  	p0 =	sne.s32 s2, $0x0;
	_ =	strace $0x9000004D  }
0x96: {  	s0 =	sadd.s32 @!p0 $0x100000, s0;
	[bflag:$0x2] =	sbarrier.arrive $0xFFFF  }
0x97: {  	[sflag:s0] =	ssyncadd.tile.s32 @!p0 $0x1;
	_ =	shalt  }
.Lfunc_end2:
_tile_overlayer_lowered:
.L_overlay_start_2:
0x98: {  	(tag) =	ssettag $0x2  }
0x99: {  	s0 =	rddreg [dreg:$0x0];
	s2 =	stileid.u32  }
0x9a: {  	s1 =	rddreg [dreg:$0x1];
	p0 =	sne.s32 s2, $0x0  }
0x9b: {  	s3 =	rddreg [dreg:$0x2];
	[bflag:$0x3] =	sbarrier.arrive $0xFFFF;
	s2 =	simm.s32 @!p0 $0x1C03  }
0x9c: {  	[timem:s3], [sflag:s2] =	dma.local @!p0 [hbm:s0], s1  }
0x9d: {  	s0 =	simm.s32 @!p0 $0x3  }
0x9e: {  	_ =	swait.ge @!p0 [sflag:s0], s1  }
0x9f: {  	s1 =	ssub.s32 @!p0 $0x0, s1;
	[sflag:s0] =	ssyncset.done @!p0 $0x0  }
0xa0: {  	[sflag:s0] =	ssyncadd.s32 @!p0 s1  }
0xa1: {  	[bflag:$0x3] =	sbarrier.arrive $0xFFFF  }
0xa2: {  	_ =	shalt  }

// kernel: kernel.8.cloned.1.call-start
scs
__scs_entry_jumppad:
0x0: {  	(pc) =	sbr.rel $0x88, $3  }
0x1: {  	(tag) =	ssettag $0x0;
	lr =	simm.s32 $0x1  }
0x2: {  	[smem:$0x3F9B] =	sst lr;
	_ =	strace $0xD0000000  }
0x3: {  	_ = 	snop  }
0x4: {  	_ = 	snop  }
0x5: {  	_ = 	snop  }
0x6: {  	_ = 	snop  }
0x7: {  	_ = 	snop  }
__scs_overlays_trampoline_lowered:
0x8: {  	[smem:$0x3FAA] =	sst s0  }
0x9: {  	[smem:$0x3FAB] =	sst s1  }
0xa: {  	[smem:$0x3FAC] =	sst s2  }
0xb: {  	[smem:$0x3FAD] =	sst s3  }
0xc: {  	[smem:$0x3FAE] =	sst s4  }
0xd: {  	[smem:$0x3FAF] =	sst s5  }
0xe: {  	[smem:$0x3FB0] =	sst s6  }
0xf: {  	[smem:$0x3FB1] =	sst s7  }
0x10: {  	[smem:$0x3FB2] =	sst s8  }
0x11: {  	[smem:$0x3FB3] =	sst s9;
	s0 =	simm.s32 @!p0 $0x0  }
0x12: {  	s1 =	sld [smem:$0x3F99];
	s0 =	simm.s32 @p0 $0x1  }
0x13: {  	[smem:$0x3FB4] =	sst s0;
	s0 =	simm.s32 @!p1 $0x0  }
0x14: {  	s2 =	sld [smem:$0x3F98];
	s0 =	simm.s32 @p1 $0x1  }
0x15: {  	[smem:$0x3FB5] =	sst s0;
	s0 =	simm.s32 @!p2 $0x0  }
0x16: {  	s3 =	sld [smem:$0x3FDB];
	s0 =	simm.s32 @p2 $0x1  }
0x17: {  	s4 =	simm.s32 $0x1BF5;
	[smem:$0x3FB7] =	sst s0  }
0x18: {  	s0 =	sld [smem:$0x3F9A];
	_ =	swait.ge [sflag:s4], $0x0  }
0x19: {  	s7 =	sld [smem:$0x3F9B]  }
0x1a: {  	s8 =	sadd.s32 $0xFFFFE003, lr  }
0x1b: {  	s9 =	sadd.s32 $0xFFFFFEF7, lr;
	s5 =	simm.s32 $0xFFFFFFFF;
	p2 =	slt.u32 s8, $0xFFFFF086  }
0x1c: {  	p1 =	slt.u32 s9, $0xF7A;
	s5 =	simm.s32 @!p2 $0x0  }
0x1d: {  	s5 =	simm.s32 @p1 $0x1;
	p0 =	seq.s32 s7, s2  }
0x1e: {  	s7 =	smul.u32 @!p0 $0xF7A, s2;
	p2 =	seq.s32 @!p0 s5, $0x0  }
0x1f: {  	s9 =	smul.u32 $0xF7A, s1;
	s8 =	simm.s32 @!p0 $0x1BF5;
	p2 =	por !p2, p0  }
0x20: {  	[sflag:s8] =	ssyncset.s32 @!p0 $0xFFFFF086;
	s6 =	sadd.s32 @!p0 s3, s7;
	s7 =	simm.s32 @!p0 $0x108  }
0x21: {  	s3 =	sadd.s32 s3, s9;
	s6 =	sadd.s32 @!p0 $0x88, s6;
	s7 =	simm.s32 @p2 $0x1082  }
0x22: {  	[simem:s7], [sflag:s8] =	dma.local @!p0 [hbm:s6], $0xF7A  }
0x23: {  	s9 =	sor.u32 $0xD0000000, s2;
	s6 =	simm.s32 $0x108;
	_ =	swait.ge @!p0 [sflag:s8], $0x0  }
0x24: {  	s3 =	sadd.s32 $0x88, s3;
	s6 =	simm.s32 @!p1 $0x1082;
	[sflag:s4] =	ssyncset.s32 $0xFFFFF086  }
0x25: {  	[simem:s6], [sflag:s4] =	dma.local [hbm:s3], $0xF7A  }
0x26: {  	[smem:$0x3F9B] =	sst s1;
	(tag) =	ssettag s2;
	_ =	strace s9  }
0x27: {  	s1 =	sld [smem:$0x3FAB]  }
0x28: {  	s2 =	sld [smem:$0x3FAC]  }
0x29: {  	s4 =	sld [smem:$0x3FAE]  }
0x2a: {  	p0 =	seq.s32 s5, $0x0;
	s5 =	sld [smem:$0x3FAF]  }
0x2b: {  	s6 =	sld [smem:$0x3FB0]  }
0x2c: {  	s7 =	sld [smem:$0x3FB1]  }
0x2d: {  	s3 =	simm.s32 $0x108;
	s8 =	sld [smem:$0x3FB2]  }
0x2e: {  	s3 =	simm.s32 @!p0 $0x1082;
	s9 =	sld [smem:$0x3FB3]  }
0x2f: {  	lr =	sadd.s32 s0, s3;
	s0 =	sld [smem:$0x3FAA]  }
0x30: {  	s3 =	sld [smem:$0x3FAD]  }
0x31: {  	[smem:$0x3FB6] =	sst s10  }
0x32: {  	s10 =	sld [smem:$0x3FB4];
	_ =	sdelay $0x3  }
0x33: {  	p0 =	seq.s32 s10, $0x1;
	s10 =	sld [smem:$0x3FB6];
	_ =	sdelay $0x3  }
0x34: {  	[smem:$0x3FB6] =	sst s10  }
0x35: {  	s10 =	sld [smem:$0x3FB5];
	_ =	sdelay $0x3  }
0x36: {  	p1 =	seq.s32 s10, $0x1;
	s10 =	sld [smem:$0x3FB6];
	_ =	sdelay $0x3  }
0x37: {  	[smem:$0x3FB6] =	sst s10  }
0x38: {  	s10 =	sld [smem:$0x3FB7]  }
0x39: {  	_ = 	snop;
	(pc) =	sbr.ind lr, $3  }
0x3a: {  	_ = 	snop  }
0x3b: {  	_ = 	snop  }
0x3c: {  	p2 =	seq.s32 s10, $0x1;
	s10 =	sld [smem:$0x3FB6]  }
0x3d: {  	_ =	shalt  }
0x3e: {  	_ =	shalt  }
0x3f: {  	_ =	shalt  }
0x40: {  	_ =	shalt  }
0x41: {  	_ =	shalt  }
0x42: {  	_ =	shalt  }
0x43: {  	_ =	shalt  }
0x44: {  	_ =	shalt  }
0x45: {  	_ =	shalt  }
0x46: {  	_ =	shalt  }
0x47: {  	_ =	shalt  }
0x48: {  	_ =	shalt  }
0x49: {  	_ =	shalt  }
0x4a: {  	_ =	shalt  }
0x4b: {  	_ =	shalt  }
0x4c: {  	_ =	shalt  }
0x4d: {  	_ =	shalt  }
0x4e: {  	_ =	shalt  }
0x4f: {  	_ =	shalt  }
0x50: {  	_ =	shalt  }
0x51: {  	_ =	shalt  }
0x52: {  	_ =	shalt  }
0x53: {  	_ =	shalt  }
0x54: {  	_ =	shalt  }
0x55: {  	_ =	shalt  }
0x56: {  	_ =	shalt  }
0x57: {  	_ =	shalt  }
0x58: {  	_ =	shalt  }
0x59: {  	_ =	shalt  }
0x5a: {  	_ =	shalt  }
0x5b: {  	_ =	shalt  }
0x5c: {  	_ =	shalt  }
0x5d: {  	_ =	shalt  }
0x5e: {  	_ =	shalt  }
0x5f: {  	_ =	shalt  }
0x60: {  	_ =	shalt  }
0x61: {  	_ =	shalt  }
0x62: {  	_ =	shalt  }
0x63: {  	_ =	shalt  }
0x64: {  	_ =	shalt  }
0x65: {  	_ =	shalt  }
0x66: {  	_ =	shalt  }
0x67: {  	_ =	shalt  }
0x68: {  	_ =	shalt  }
0x69: {  	_ =	shalt  }
0x6a: {  	_ =	shalt  }
0x6b: {  	_ =	shalt  }
0x6c: {  	_ =	shalt  }
0x6d: {  	_ =	shalt  }
0x6e: {  	_ =	shalt  }
0x6f: {  	_ =	shalt  }
0x70: {  	_ =	shalt  }
0x71: {  	_ =	shalt  }
0x72: {  	_ =	shalt  }
0x73: {  	_ =	shalt  }
0x74: {  	_ =	shalt  }
0x75: {  	_ =	shalt  }
0x76: {  	_ =	shalt  }
0x77: {  	_ =	shalt  }
0x78: {  	_ =	shalt  }
0x79: {  	_ =	shalt  }
0x7a: {  	_ =	shalt  }
0x7b: {  	_ =	shalt  }
0x7c: {  	_ =	shalt  }
0x7d: {  	_ =	shalt  }
0x7e: {  	_ =	shalt  }
0x7f: {  	_ =	shalt  }
0x80: {  	_ =	shalt  }
0x81: {  	_ =	shalt  }
0x82: {  	_ =	shalt  }
0x83: {  	_ =	shalt  }
0x84: {  	_ =	shalt  }
0x85: {  	_ =	shalt  }
0x86: {  	_ =	shalt  }
0x87: {  	_ =	shalt  }
.Lfunc_end0:
.L_simem_size_0:
called_computation_lowered:
.L_overlay_start_0:
0x88: {  	s2 =	sld [smem:$0x3FD9]  }
0x89: {  	s3 =	sld [smem:$0x3FFE];
	_ =	sdelay $0x1  }
0x8a: {  	s1 =	srdreg.scid  }
0x8b: {  	s0 =	sand.u32 $0x1, s1  }
0x8c: {  	s17 =	sshll.u32 s0, $0xA;
	s2 =	sadd.s32 s3, s2  }
0x8d: {  	s2 =	sadd.s32 s2, s17  }
0x8e: {  	[smem:$0x3FC2] =	sst s2  }
0x8f: {  	_ = 	snop  }
0x90: {  	s2 =	sld [smem:$0x3FD0];
	(tm) =	ssettm $0x1  }
0x91: {  	s18 =	sld [smem:$0x3FFB];
	_ =	sdelay $0x3  }
0x92: {  	_ =	strace s18  }
0x93: {  	s3 =	sld [smem:$0x3FFC];
	_ =	sdelay $0x3  }
0x94: {  	_ =	strace s3  }
0x95: {  	s3 =	sld [smem:$0x3FFD];
	_ =	sdelay $0x3  }
0x96: {  	_ =	strace s3  }
0x97: {  	_ =	strace $0x8FFFFFFF  }
0x98: {  	s19 =	sld [smem:$0x3FDB];
	_ =	sdelay $0x1  }
0x99: {  	s4 =	simm.s32 $_scs_section_size  }
0x9a: {  	s5 =	simm.s32 $_size__tile_overlayer_lowered;
	s6 =	simm.s32 $_tile_overlayer_lowered  }
0x9b: {  	s22 =	simm.s32 $0x1BFF;
	s21 =	sshll.u32 s6, $0x1;
	s3 =	sadd.s32 s4, s19  }
0x9c: {  	s7 =	simm.s32 $0x0;
	s20 =	sshll.u32 s5, $0x1;
	s5 =	sadd.s32 s21, s3  }
0x9d: {  	[timem:s7], [sflag:s22] =	dma.local [hbm:s5], s20  }
0x9e: {  	_ =	swait.ge [sflag:s22], s20  }
0x9f: {  	s4 =	ssub.s32 $0x0, s20;
	[sflag:s22] =	ssyncset.done $0x0  }
0xa0: {  	[sflag:s22] =	ssyncadd.s32 s4;
	_ =	sdelay $0x1  }
0xa1: {  	s23 =	simm.s32 $0x1B8B  }
0xa2: {  	_ =	swait.ge [sflag:s23], $0x1  }
0xa3: {  	[sflag:s23] =	ssyncset.done $0x0  }
0xa4: {  	s25 =	simm.s32 $0x1B8E;
	s24 =	sld [smem:$0x3FFE];
	[sflag:s23] =	ssyncadd.s32 $0xFFFFFFFF  }
0xa5: {  	s26 =	simm.s32 $execute0_lowered;
	[smem:$0x3FD2] =	sst s25  }
0xa6: {  	s5 =	sshll.u32 s26, $0x1;
	_ =	strace $0x80000046;
	[dreg:$0x1] =	wrdreg $0xFFFFFFFF  }
0xa7: {  	s28 =	simm.s32 $_size_execute0_lowered;
	s3 =	sadd.s32 s3, s5;
	[dreg:$0x0] =	wrdreg $0x0  }
0xa8: {  	s5 =	sshll.u32 s28, $0x1;
	[dreg:$0x2] =	wrdreg s3  }
0xa9: {  	[dreg:$0x3] =	wrdreg s5  }
0xaa: {  	[dreg:$0x4] =	wrdreg $0xC0  }
0xab: {  	_ =	task [dreg:s7], $0x5FFFF  }
0xac: {  	[dreg:$0x1] =	wrdreg $0xFFFFFFFF  }
0xad: {  	[dreg:$0x0] =	wrdreg $0x60  }
0xae: {  	[dreg:$0x2] =	wrdreg s2  }
0xaf: {  	[dreg:$0x3] =	wrdreg s24  }
0xb0: {  	[dreg:$0x4] =	wrdreg $0x50000  }
0xb1: {  	[dreg:$0x5] =	wrdreg $0x9  }
0xb2: {  	_ =	task.clear_ibuf [dreg:s7], $0x6FFFF;
	_ =	strace $0x90000046  }
0xb3: {  	s29 =	simm.s32 $0x9;
	_ =	strace $0x80000048  }
0xb4: {  	_ =	swait.ge [sflag:s29], $0x1  }
0xb5: {  	[sflag:s29] =	ssyncadd.s32 $0xFFFFFFFF  }
0xb6: {  	_ =	strace $0x90000048  }
0xb7: {  	_ =	sfence  }
0xb8: {  	s30 =	sld [smem:$0x0];
	_ =	sdelay $0x2  }
0xb9: {  	s31 =	sshll.u32 s1, $0xD;
	s1 =	sshrl.u32 s1, $0x2  }
0xba: {  	s3 =	sand.u32 $0x4000, s31;
	s1 =	sadd.s32 s1, s30  }
0xbb: {  	s0 =	sor.u32 s3, s0;
	s1 =	sshll.u32 s1, $0x11  }
0xbc: {  	s0 =	sor.u32 s1, s0  }
0xbd: {  	s0 =	sadd.s32 $0x8F2B, s0  }
0xbe: {  	[sflag:s0] =	ssyncadd.remote.s32 $0x1  }
0xbf: {  	_ =	sfence.sel $0xFFFF  }
0xc0: {  	[dreg:$0x0] =	wrdreg $0xFFFFFFFF;
	(pc) =	sbr.abs _section_cstart, $3  }
0xc1: {  	[dreg:$0x1] =	wrdreg $0xFFFFFFFF  }
0xc2: {  	_ =	task.clear_ibuf [dreg:s7], $0x2FFFF;
	_ =	strace $0x9FFFFFFF  }
0xc3: {  	(tm) =	ssettm $0x7FFFFFFF  }
tec
execute0_lowered:
.L_overlay_start_1:
0x0: {  	(tag) =	ssettag $0x1  }
0x1: {  	s5 =	rddreg [dreg:$0x0]  }
0x2: {  	s4 =	rddreg [dreg:$0x1]  }
0x3: {  	s1 =	rddreg [dreg:$0x2]  }
0x4: {  	s0 =	rddreg [dreg:$0x3]  }
0x5: {  	s2 =	simm.s32 $0x0;
	s6 =	srdreg.scid;
	s13 =	stileid.u32  }
0x6: {  	[smem:$0x7FF] =	sst s2;
	s3 =	sadd.s32 $0xC800, s4;
	s6 =	sand.u32 $0x1, s6  }
0x7: {  	s8 =	sadd.s32 $0xC200, s4;
	s10 =	smul.u32 $0x278, s13;
	_ =	strace $0x80000047  }
0x8: {  	s7 =	sshll.u32 s6, $0x4;
	s9 =	ssub.s32 $0x2, s6;
	p0 =	seq.s32 s6, $0x0  }
0x9: {  	s11 =	sor.u32 s13, s7;
	s7 =	sadd.s32 s7, s4;
	s31 =	sshrl.u32 s9, $0x1  }
0xa: {  	s12 =	sshrl.u32 s10, $0x3;
	s4 =	sadd.s32 s10, s1;
	s8 =	smov.u32 @p0 s3  }
0xb: {  	s10 =	simm.s32 $0x1;
	p0 =	sne.s32 s13, $0x0;
	s13 =	simm.s32 $0x0  }
0xc: {  	s11 =	smul.u32 $0x500, s11;
	s9 =	ssub.s32 s9, s31;
	s6 =	sadd.s32 $0xCE00, s7  }
0xd: {  	s8 =	sadd.s32 s8, s12;
	s12 =	simm.s32 $0x80;
	s7 =	smax.u32 s9, $0x1  }
0xe: {  	s9 =	simm.s32 $0x2880;
	s5 =	sadd.s32 s5, s11;
	s11 =	simm.s32 $0x2800  }
.LBB2_1:
0xf: {  	[tilespmem:s9], [sflag:$0x1] =	stream.linear.gather [hbm4b:s8+s2], $0x278, $0x38;
	[tilespmem:$0x5278] =	vst v63  }
0x10: {  	_ =	swait.ge [sflag:s10], $0x278  }
0x11: {  	[sflag:s10] =	ssyncset.done $0x0  }
0x12: {  	[sflag:s10] =	ssyncadd.s32 $0xFFFFFD88  }
0x13: {  	[spmem:s4] =	stream.linear.scatter [tilespmem:s9], [sflag:$0x1], $0x278, $0x38;
	[tilespmem:$0x5278] =	vst v63  }
0x14: {  	_ =	swait.ge [sflag:s10], $0x278  }
0x15: {  	[sflag:s10] =	ssyncset.done $0x0  }
0x16: {  	[sflag:s10] =	ssyncadd.s32 $0xFFFFFD88  }
0x17: {  	[tilespmem:s11], [sflag:$0x1] =	stream.linear.gather [hbm4b:s3+s2], $0x80, $0x38;
	[tilespmem:$0x5278] =	vst v63  }
0x18: {  	_ =	swait.ge [sflag:s10], $0x80  }
0x19: {  	[sflag:s10] =	ssyncset.done $0x0  }
0x1a: {  	[sflag:s10] =	ssyncadd.s32 $0xFFFFFF80  }
0x1b: {  	[tilespmem:s2], [sflag:$0x1] =	stream.linear.gather [hbm4b:s5+s2], $0x2800, $0x38;
	[tilespmem:$0x5278] =	vst v63  }
0x1c: {  	_ =	swait.ge [sflag:s10], $0x2800  }
0x1d: {  	[sflag:s10] =	ssyncset.done $0x0  }
0x1e: {  	[sflag:s10] =	ssyncadd.s32 $0xFFFFD800  }
0x1f: {  	s14 =	simm.s32 $0x0;
	[bflag:$0x0] =	sbarrier.arrive $0xFFFF  }
0x20: {  	[spmem:s1] =	stream.indirect.scatter.add.f32 [tilespmem:s11], [sflag:$0x1], $0x1, s14, s12, $0xb8;
	[tilespmem:$0x5278] =	vst v63  }
0x21: {  	_ =	swait.ge [sflag:s10], $0x80  }
0x22: {  	s14 =	simm.s32 $0x200;
	[sflag:s10] =	ssyncset.done $0x0  }
.LBB2_2:
0x23: {  	s15 =	sshra.s32 s14, $0x2;
	[sflag:s10] =	ssyncadd.s32 $0xFFFFFF80;
	p1 =	sne.s32 s14, $0x9E00  }
0x24: {  	[spmem:s1] =	stream.indirect.scatter.add.f32 [tilespmem:s11], [sflag:$0x1], $0x1, s15, s12, $0xb8;
	[tilespmem:$0x5278] =	vst v63  }
.Ltmp0:
0x25: {  	_ = 	snop;
	(pc) =	sbr.rel @p1 .LBB2_2-.Ltmp0, $4  }
0x26: {  	_ = 	snop  }
0x27: {  	s14 =	sadd.s32 $0x200, s14  }
0x28: {  	_ =	swait.ge [sflag:s10], $0x80  }
0x29: {  	[sflag:s10] =	ssyncset.done $0x0  }
0x2a: {  	[sflag:s10] =	ssyncadd.s32 $0xFFFFFF80  }
0x2b: {  	s14 =	simm.s32 @!p0 $0x2880;
	s15 =	simm.s32 @!p0 $0x1;
	[bflag:$0x0] =	sbarrier.arrive $0xFFFF  }
0x2c: {  	[tilespmem:s14], [sflag:$0x1] =	stream.linear.gather @!p0 [spmem:s1], $0x2780, $0x38;
	[tilespmem:$0x5278] =	vst v63  }
0x2d: {  	s13 =	sadd.s32 $0x1, s13;
	_ =	swait.ge @!p0 [sflag:s15], $0x2780  }
0x2e: {  	s16 =	simm.s32 @!p0 $0x80;
	p1 =	sne.s32 s13, s7;
	[sflag:s15] =	ssyncset.done @!p0 $0x0  }
.Ltmp1:
0x2f: {  	s17 =	simm.s32 @!p0 $0x100;
	[sflag:s15] =	ssyncadd.s32 @!p0 $0xFFFFD880;
	(pc) =	sbr.rel @p1 .LBB2_1-.Ltmp1, $4  }
0x30: {  	[hbm4b:s6+s16] =	stream.strided.scatter @!p0 [tilespmem:s14], [sflag:$0x1], $0x2780, s17, s16, $0x38;
	[tilespmem:$0x5278] =	vst v63  }
0x31: {  	_ =	swait.ge @!p0 [sflag:s15], $0x2780  }
0x32: {  	[sflag:s15] =	ssyncset.done @!p0 $0x0  }
0x33: {  	[sflag:s15] =	ssyncadd.s32 @!p0 $0xFFFFD880  }
0x34: {  	_ =	sfence.sel $0x180000  }
0x35: {  	[bflag:$0x0] =	sbarrier.arrive $0xFFFF  }
0x36: {  	_ =	strace $0x90000047  }
0x37: {  	s0 =	sadd.s32 @!p0 $0x100000, s0;
	[bflag:$0x2] =	sbarrier.arrive $0xFFFF  }
0x38: {  	[sflag:s0] =	ssyncadd.tile.s32 @!p0 $0x1;
	_ =	shalt  }
.Lfunc_end2:
_tile_overlayer_lowered:
.L_overlay_start_2:
0x39: {  	(tag) =	ssettag $0x2  }
0x3a: {  	s0 =	rddreg [dreg:$0x0];
	s2 =	stileid.u32  }
0x3b: {  	s1 =	rddreg [dreg:$0x1];
	p0 =	sne.s32 s2, $0x0  }
0x3c: {  	s3 =	rddreg [dreg:$0x2];
	[bflag:$0x3] =	sbarrier.arrive $0xFFFF;
	s2 =	simm.s32 @!p0 $0x1C01  }
0x3d: {  	[timem:s3], [sflag:s2] =	dma.local @!p0 [hbm:s0], s1  }
0x3e: {  	s0 =	simm.s32 @!p0 $0x1  }
0x3f: {  	_ =	swait.ge @!p0 [sflag:s0], s1  }
0x40: {  	s1 =	ssub.s32 @!p0 $0x0, s1;
	[sflag:s0] =	ssyncset.done @!p0 $0x0  }
0x41: {  	[sflag:s0] =	ssyncadd.s32 @!p0 s1  }
0x42: {  	[bflag:$0x3] =	sbarrier.arrive $0xFFFF  }
0x43: {  	_ =	shalt  }

</sc_bundles>
